<compile_context>
chip_gen: v7x
topology: tpu7x:2x2x1
jax: 0.10.2.dev20260603
libtpu: 0.0.44.dev20260713+nightly
codegen_flags: <defaults>
</compile_context>

<pallas_src>
import functools

import jax
import jax.numpy as jnp
from jax import lax
from jax.experimental import pallas as pl
from jax.experimental.pallas import tpu as pltpu
from jax.experimental.pallas import tpu_sc as plsc

_SC_NUM_CORES = 2
_SC_NUM_SUBCORES = 16
_SC_NUM_WORKERS = _SC_NUM_CORES * _SC_NUM_SUBCORES

_BLOCK_M = 1024
_BLOCK_K = 1024

_GATHER_CHUNK = 128
_GATHER_GROUP = 8


def _argmin_body(x_ref, sx_ref, cb_ref, sc_ref, idx_ref, loss_ref):
    bm = x_ref.shape[0]
    n_codes = cb_ref.shape[0]
    n_chunks = n_codes // _BLOCK_K
    x2 = x_ref[...] * jnp.float32(-2.0)
    sx = sx_ref[...]
    iotf = lax.broadcasted_iota(jnp.int32, (bm, _BLOCK_K), 1).astype(jnp.float32)

    def chunk(k, carry):
        run_min, run_idx = carry
        cb = cb_ref[pl.ds(k * _BLOCK_K, _BLOCK_K), :]
        sc = sc_ref[:, pl.ds(k * _BLOCK_K, _BLOCK_K)]
        mm2 = lax.dot_general(x2, cb, (((1,), (1,)), ((), ())),
                              preferred_element_type=jnp.float32)
        dist = (sx + sc) + mm2
        cmin = jnp.min(dist, axis=1, keepdims=True)
        cidx = jnp.min(jnp.where(dist == cmin, iotf, jnp.float32(n_codes)),
                       axis=1, keepdims=True) + k * jnp.float32(_BLOCK_K)
        better = cmin < run_min
        return (jnp.where(better, cmin, run_min),
                jnp.where(better, cidx, run_idx))

    init = (jnp.full((bm, 1), jnp.inf, jnp.float32),
            jnp.zeros((bm, 1), jnp.float32))
    run_min, run_idx = lax.fori_loop(0, n_chunks, chunk, init, unroll=True)
    idx_ref[...] = run_idx.astype(jnp.int32)
    loss_ref[...] = jnp.reshape(jnp.sum(run_min), (1, 1, 1))


def _tc_argmin(x, codebook, sx, sc):
    n, g = x.shape
    n_blocks = n // _BLOCK_M
    idx, loss_parts = pl.pallas_call(
        _argmin_body,
        grid=(n_blocks,),
        in_specs=[
            pl.BlockSpec((_BLOCK_M, g), lambda i: (i, 0)),
            pl.BlockSpec((_BLOCK_M, 1), lambda i: (i, 0)),
            pl.BlockSpec(codebook.shape, lambda i: (0, 0)),
            pl.BlockSpec(sc.shape, lambda i: (0, 0)),
        ],
        out_specs=[
            pl.BlockSpec((_BLOCK_M, 1), lambda i: (i, 0)),
            pl.BlockSpec((1, 1, 1), lambda i: (i, 0, 0)),
        ],
        out_shape=[
            jax.ShapeDtypeStruct((n, 1), jnp.int32),
            jax.ShapeDtypeStruct((n_blocks, 1, 1), jnp.float32),
        ],
    )(x, sx, codebook, sc)
    return idx, loss_parts


def _sc_gather(codebook, indices):
    b = indices.shape[0]
    d = codebook.shape[1]
    b_per_w = b // _SC_NUM_WORKERS
    chunks_per_w = b_per_w // _GATHER_CHUNK
    group_rows = _GATHER_CHUNK * _GATHER_GROUP
    n_groups = b_per_w // group_rows
    idx2 = indices.reshape(b // _GATHER_CHUNK, _GATHER_CHUNK)
    mesh = plsc.VectorSubcoreMesh(core_axis_name="c", subcore_axis_name="s")

    @functools.partial(
        pl.kernel,
        mesh=mesh,
        out_type=jax.ShapeDtypeStruct((b, d), jnp.float32),
        scratch_types=[
            pltpu.VMEM((chunks_per_w, _GATHER_CHUNK), jnp.int32),
            pltpu.VMEM((group_rows, d), jnp.float32),
            pltpu.SemaphoreType.DMA,
        ],
        compiler_params=pltpu.CompilerParams(use_tc_tiling_on_sc=False),
    )
    def gk(cb_hbm, idx_hbm, out_hbm, idx_v, rows_v, sem):
        wid = lax.axis_index("s") * _SC_NUM_CORES + lax.axis_index("c")
        base = wid * b_per_w
        pltpu.sync_copy(idx_hbm.at[pl.ds(wid * chunks_per_w, chunks_per_w)],
                        idx_v)

        def group(gi, _):
            for c in range(_GATHER_GROUP):
                pltpu.async_copy(
                    cb_hbm.at[idx_v.at[gi * _GATHER_GROUP + c]],
                    rows_v.at[pl.ds(c * _GATHER_CHUNK, _GATHER_CHUNK)],
                    sem)
            pltpu.make_async_copy(
                cb_hbm.at[pl.ds(0, group_rows)], rows_v, sem).wait()
            pltpu.sync_copy(
                rows_v, out_hbm.at[pl.ds(base + gi * group_rows, group_rows)])
            return _

        lax.fori_loop(0, n_groups, group, 0)

    return gk(codebook, idx2)


def kernel(x, codebook):
    sx = (x ** 2).sum(axis=-1, keepdims=True)
    sc = (codebook ** 2).sum(axis=-1).reshape(1, -1)
    idx2, loss_parts = _tc_argmin(x, codebook, sx, sc)
    indices = idx2.reshape(-1)
    quantized = _sc_gather(codebook, indices)
    commit_loss = loss_parts.sum() / jnp.float32(x.size)
    return (quantized, indices, commit_loss)

# --- scband reference (transcript-rebuilt; emitter-appended) ---
"""Pipeline reference for scband-vqcodebook-25142738551443 (READ-ONLY COPY).

The authoritative reference and input builder live on the scoring server;
editing this copy changes nothing except your own understanding.
"""

import jax, jax.numpy as jnp
import numpy as np

CODEBOOK_SIZE = 8192
GROUP_SIZE = 64
NUM_GROUPS = 131072


def setup_inputs(seed: int = 0) -> dict:
    key = jax.random.key(seed)
    kx, kc = jax.random.split(key)
    x = jax.random.normal(kx, (NUM_GROUPS, GROUP_SIZE), dtype=jnp.float32)
    codebook = jax.random.normal(kc, (CODEBOOK_SIZE, GROUP_SIZE), dtype=jnp.float32) * 0.02
    return {"x": x, "codebook": codebook}


def reference(x, codebook):
    # Faithful translation of VQCodebook.quantize
    # dists[n, k] = ||x_n||^2 + ||c_k||^2 - 2 x_n . c_k
    dists = (x ** 2).sum(axis=-1, keepdims=True) + (codebook ** 2).sum(axis=-1) - 2.0 * (x @ codebook.T)
    indices = jnp.argmin(dists, axis=-1)
    quantized = jnp.take(codebook, indices, axis=0)
    commit_loss = jnp.mean((jax.lax.stop_gradient(x) - quantized) ** 2)
    quantized_st = x + jax.lax.stop_gradient(quantized - x)
    return (quantized_st, indices, commit_loss)

if __name__ == "__main__":
    import jax
    _d = setup_inputs()
    print(jax.jit(kernel)(*tuple(_d.values())))

</pallas_src>

<mosaic_0001>
#map = affine_map<(d0, d1) -> (0, 0)>
module attributes {stable_mosaic.version = 14 : i64} {
  func.func @gk(%arg0: i32, %arg1: i32, %arg2: memref<8192x64xf32, #tpu.memory_space<hbm>>, %arg3: memref<1024x128xi32, #tpu.memory_space<hbm>>, %arg4: memref<131072x64xf32, #tpu.memory_space<hbm>>, %arg5: memref<32x128xi32, #tpu.memory_space<vmem>>, %arg6: memref<1024x64xf32, #tpu.memory_space<vmem>>, %arg7: memref<!tpu.dma_semaphore, #tpu.memory_space<semaphore_mem>>) attributes {dimension_semantics = [#tpu.dimension_semantics<core_parallel>, #tpu.dimension_semantics<subcore_parallel>], iteration_bounds = array<i64: 2, 16>, scalar_prefetch = 0 : i64, scratch_operands = 3 : i64, tpu.core_type = #tpu.core_type<sc_vector_subcore>, window_params = [{transform_indices = #map}, {transform_indices = #map}, {transform_indices = #map}]} {
    %mul3A = arith.constant 2 : i32
    %mul3A_0 = arith.muli %arg1, %mul3A : i32
    %add3A = arith.addi %mul3A_0, %arg0 : i32
    %mul3A_1 = arith.constant 4096 : i32
    %mul3A_2 = arith.muli %add3A, %mul3A_1 : i32
    %mul3A_3 = arith.constant 32 : i32
    %mul3A_4 = arith.muli %add3A, %mul3A_3 : i32
    "tpu.region"() ({
      %run_scoped3A = tpu.sem_alloc : memref<!tpu.dma_semaphore, #tpu.memory_space<semaphore_mem>>
      %dma_start3A = arith.constant 0 : i32
      %dma_start3A_10 = tpu.memref_slice %arg3[%mul3A_4, %dma_start3A] : memref<1024x128xi32, #tpu.memory_space<hbm>> -> memref<32x128xi32, #tpu.memory_space<hbm>>
      %dma_start3A_11 = arith.constant 0 : i32
      %dma_start3A_12 = tpu.memref_slice %arg3[%mul3A_4, %dma_start3A_11] : memref<1024x128xi32, #tpu.memory_space<hbm>> -> memref<32x128xi32, #tpu.memory_space<hbm>>
      tpu.enqueue_dma source(%dma_start3A_12 : memref<32x128xi32, #tpu.memory_space<hbm>>) target(%arg5 : memref<32x128xi32, #tpu.memory_space<vmem>>) target_semaphore(%run_scoped3A : memref<!tpu.dma_semaphore, #tpu.memory_space<semaphore_mem>>)
      %dma_wait3A = arith.constant 0 : i32
      %dma_wait3A_13 = tpu.memref_slice %arg3[%mul3A_4, %dma_wait3A] : memref<1024x128xi32, #tpu.memory_space<hbm>> -> memref<32x128xi32, #tpu.memory_space<hbm>>
      %dma_wait3A_14 = arith.constant 0 : i32
      %dma_wait3A_15 = tpu.memref_slice %arg3[%mul3A_4, %dma_wait3A_14] : memref<1024x128xi32, #tpu.memory_space<hbm>> -> memref<32x128xi32, #tpu.memory_space<hbm>>
      tpu.wait_dma2 semaphore(%run_scoped3A : memref<!tpu.dma_semaphore, #tpu.memory_space<semaphore_mem>>) src(%dma_wait3A_15 : memref<32x128xi32, #tpu.memory_space<hbm>>) dst(%arg5 : memref<32x128xi32, #tpu.memory_space<vmem>>)
      tpu.yield
    }) : () -> ()
    %scan3A = arith.constant 0 : i32
    %scan3A_5 = arith.constant 0 : i32
    %scan3A_6 = arith.constant 4 : i32
    %scan3A_7 = arith.addi %scan3A_5, %scan3A_6 : i32
    %scan3A_8 = arith.constant 1 : i32
    scf.for %scan3A_10 = %scan3A_5 to %scan3A_7 step %scan3A_8  : i32 {
      %mul3A_11 = arith.constant 8 : i32
      %mul3A_12 = arith.muli %scan3A_10, %mul3A_11 : i32
      %add3A_13 = arith.constant 0 : i32
      %add3A_14 = arith.addi %mul3A_12, %add3A_13 : i32
      %dma_start3A = arith.constant 0 : i32
      %dma_start3A_15 = arith.constant 0 : i32
      %dma_start3A_16 = tpu.memref_slice %arg6[%dma_start3A, %dma_start3A_15] : memref<1024x64xf32, #tpu.memory_space<vmem>> -> memref<128x64xf32, #tpu.memory_space<vmem>>
      %dma_start3A_17 = arith.constant 0 : i32
      %dma_start3A_18 = tpu.memref_slice %arg5[%add3A_14, %dma_start3A_17] : memref<32x128xi32, #tpu.memory_space<vmem>> -> memref<1x128xi32, #tpu.memory_space<vmem>>
      %dma_start3A_19 = tpu.memref_squeeze %dma_start3A_18 : memref<1x128xi32, #tpu.memory_space<vmem>> -> memref<128xi32, #tpu.memory_space<vmem>>
      %dma_start3A_20 = arith.constant 0 : i32
      %dma_start3A_21 = arith.constant 0 : i32
      %dma_start3A_22 = tpu.memref_slice %arg2[%dma_start3A_20, %dma_start3A_21] : memref<8192x64xf32, #tpu.memory_space<hbm>> -> memref<8192x64xf32, #tpu.memory_space<hbm>>
      tpu.enqueue_indirect_dma source(%dma_start3A_22 : memref<8192x64xf32, #tpu.memory_space<hbm>>) target(%dma_start3A_16 : memref<128x64xf32, #tpu.memory_space<vmem>>) offsets(%dma_start3A_19 : memref<128xi32, #tpu.memory_space<vmem>>) semaphore(%arg7 : memref<!tpu.dma_semaphore, #tpu.memory_space<semaphore_mem>>)
      %mul3A_23 = arith.constant 8 : i32
      %mul3A_24 = arith.muli %scan3A_10, %mul3A_23 : i32
      %add3A_25 = arith.constant 1 : i32
      %add3A_26 = arith.addi %mul3A_24, %add3A_25 : i32
      %dma_start3A_27 = arith.constant 128 : i32
      %dma_start3A_28 = arith.constant 0 : i32
      %dma_start3A_29 = tpu.memref_slice %arg6[%dma_start3A_27, %dma_start3A_28] : memref<1024x64xf32, #tpu.memory_space<vmem>> -> memref<128x64xf32, #tpu.memory_space<vmem>>
      %dma_start3A_30 = arith.constant 0 : i32
      %dma_start3A_31 = tpu.memref_slice %arg5[%add3A_26, %dma_start3A_30] : memref<32x128xi32, #tpu.memory_space<vmem>> -> memref<1x128xi32, #tpu.memory_space<vmem>>
      %dma_start3A_32 = tpu.memref_squeeze %dma_start3A_31 : memref<1x128xi32, #tpu.memory_space<vmem>> -> memref<128xi32, #tpu.memory_space<vmem>>
      %dma_start3A_33 = arith.constant 0 : i32
      %dma_start3A_34 = arith.constant 0 : i32
      %dma_start3A_35 = tpu.memref_slice %arg2[%dma_start3A_33, %dma_start3A_34] : memref<8192x64xf32, #tpu.memory_space<hbm>> -> memref<8192x64xf32, #tpu.memory_space<hbm>>
      tpu.enqueue_indirect_dma source(%dma_start3A_35 : memref<8192x64xf32, #tpu.memory_space<hbm>>) target(%dma_start3A_29 : memref<128x64xf32, #tpu.memory_space<vmem>>) offsets(%dma_start3A_32 : memref<128xi32, #tpu.memory_space<vmem>>) semaphore(%arg7 : memref<!tpu.dma_semaphore, #tpu.memory_space<semaphore_mem>>)
      %mul3A_36 = arith.constant 8 : i32
      %mul3A_37 = arith.muli %scan3A_10, %mul3A_36 : i32
      %add3A_38 = arith.constant 2 : i32
      %add3A_39 = arith.addi %mul3A_37, %add3A_38 : i32
      %dma_start3A_40 = arith.constant 256 : i32
      %dma_start3A_41 = arith.constant 0 : i32
      %dma_start3A_42 = tpu.memref_slice %arg6[%dma_start3A_40, %dma_start3A_41] : memref<1024x64xf32, #tpu.memory_space<vmem>> -> memref<128x64xf32, #tpu.memory_space<vmem>>
      %dma_start3A_43 = arith.constant 0 : i32
      %dma_start3A_44 = tpu.memref_slice %arg5[%add3A_39, %dma_start3A_43] : memref<32x128xi32, #tpu.memory_space<vmem>> -> memref<1x128xi32, #tpu.memory_space<vmem>>
      %dma_start3A_45 = tpu.memref_squeeze %dma_start3A_44 : memref<1x128xi32, #tpu.memory_space<vmem>> -> memref<128xi32, #tpu.memory_space<vmem>>
      %dma_start3A_46 = arith.constant 0 : i32
      %dma_start3A_47 = arith.constant 0 : i32
      %dma_start3A_48 = tpu.memref_slice %arg2[%dma_start3A_46, %dma_start3A_47] : memref<8192x64xf32, #tpu.memory_space<hbm>> -> memref<8192x64xf32, #tpu.memory_space<hbm>>
      tpu.enqueue_indirect_dma source(%dma_start3A_48 : memref<8192x64xf32, #tpu.memory_space<hbm>>) target(%dma_start3A_42 : memref<128x64xf32, #tpu.memory_space<vmem>>) offsets(%dma_start3A_45 : memref<128xi32, #tpu.memory_space<vmem>>) semaphore(%arg7 : memref<!tpu.dma_semaphore, #tpu.memory_space<semaphore_mem>>)
      %mul3A_49 = arith.constant 8 : i32
      %mul3A_50 = arith.muli %scan3A_10, %mul3A_49 : i32
      %add3A_51 = arith.constant 3 : i32
      %add3A_52 = arith.addi %mul3A_50, %add3A_51 : i32
      %dma_start3A_53 = arith.constant 384 : i32
      %dma_start3A_54 = arith.constant 0 : i32
      %dma_start3A_55 = tpu.memref_slice %arg6[%dma_start3A_53, %dma_start3A_54] : memref<1024x64xf32, #tpu.memory_space<vmem>> -> memref<128x64xf32, #tpu.memory_space<vmem>>
      %dma_start3A_56 = arith.constant 0 : i32
      %dma_start3A_57 = tpu.memref_slice %arg5[%add3A_52, %dma_start3A_56] : memref<32x128xi32, #tpu.memory_space<vmem>> -> memref<1x128xi32, #tpu.memory_space<vmem>>
      %dma_start3A_58 = tpu.memref_squeeze %dma_start3A_57 : memref<1x128xi32, #tpu.memory_space<vmem>> -> memref<128xi32, #tpu.memory_space<vmem>>
      %dma_start3A_59 = arith.constant 0 : i32
      %dma_start3A_60 = arith.constant 0 : i32
      %dma_start3A_61 = tpu.memref_slice %arg2[%dma_start3A_59, %dma_start3A_60] : memref<8192x64xf32, #tpu.memory_space<hbm>> -> memref<8192x64xf32, #tpu.memory_space<hbm>>
      tpu.enqueue_indirect_dma source(%dma_start3A_61 : memref<8192x64xf32, #tpu.memory_space<hbm>>) target(%dma_start3A_55 : memref<128x64xf32, #tpu.memory_space<vmem>>) offsets(%dma_start3A_58 : memref<128xi32, #tpu.memory_space<vmem>>) semaphore(%arg7 : memref<!tpu.dma_semaphore, #tpu.memory_space<semaphore_mem>>)
      %mul3A_62 = arith.constant 8 : i32
      %mul3A_63 = arith.muli %scan3A_10, %mul3A_62 : i32
      %add3A_64 = arith.constant 4 : i32
      %add3A_65 = arith.addi %mul3A_63, %add3A_64 : i32
      %dma_start3A_66 = arith.constant 512 : i32
      %dma_start3A_67 = arith.constant 0 : i32
      %dma_start3A_68 = tpu.memref_slice %arg6[%dma_start3A_66, %dma_start3A_67] : memref<1024x64xf32, #tpu.memory_space<vmem>> -> memref<128x64xf32, #tpu.memory_space<vmem>>
      %dma_start3A_69 = arith.constant 0 : i32
      %dma_start3A_70 = tpu.memref_slice %arg5[%add3A_65, %dma_start3A_69] : memref<32x128xi32, #tpu.memory_space<vmem>> -> memref<1x128xi32, #tpu.memory_space<vmem>>
      %dma_start3A_71 = tpu.memref_squeeze %dma_start3A_70 : memref<1x128xi32, #tpu.memory_space<vmem>> -> memref<128xi32, #tpu.memory_space<vmem>>
      %dma_start3A_72 = arith.constant 0 : i32
      %dma_start3A_73 = arith.constant 0 : i32
      %dma_start3A_74 = tpu.memref_slice %arg2[%dma_start3A_72, %dma_start3A_73] : memref<8192x64xf32, #tpu.memory_space<hbm>> -> memref<8192x64xf32, #tpu.memory_space<hbm>>
      tpu.enqueue_indirect_dma source(%dma_start3A_74 : memref<8192x64xf32, #tpu.memory_space<hbm>>) target(%dma_start3A_68 : memref<128x64xf32, #tpu.memory_space<vmem>>) offsets(%dma_start3A_71 : memref<128xi32, #tpu.memory_space<vmem>>) semaphore(%arg7 : memref<!tpu.dma_semaphore, #tpu.memory_space<semaphore_mem>>)
      %mul3A_75 = arith.constant 8 : i32
      %mul3A_76 = arith.muli %scan3A_10, %mul3A_75 : i32
      %add3A_77 = arith.constant 5 : i32
      %add3A_78 = arith.addi %mul3A_76, %add3A_77 : i32
      %dma_start3A_79 = arith.constant 640 : i32
      %dma_start3A_80 = arith.constant 0 : i32
      %dma_start3A_81 = tpu.memref_slice %arg6[%dma_start3A_79, %dma_start3A_80] : memref<1024x64xf32, #tpu.memory_space<vmem>> -> memref<128x64xf32, #tpu.memory_space<vmem>>
      %dma_start3A_82 = arith.constant 0 : i32
      %dma_start3A_83 = tpu.memref_slice %arg5[%add3A_78, %dma_start3A_82] : memref<32x128xi32, #tpu.memory_space<vmem>> -> memref<1x128xi32, #tpu.memory_space<vmem>>
      %dma_start3A_84 = tpu.memref_squeeze %dma_start3A_83 : memref<1x128xi32, #tpu.memory_space<vmem>> -> memref<128xi32, #tpu.memory_space<vmem>>
      %dma_start3A_85 = arith.constant 0 : i32
      %dma_start3A_86 = arith.constant 0 : i32
      %dma_start3A_87 = tpu.memref_slice %arg2[%dma_start3A_85, %dma_start3A_86] : memref<8192x64xf32, #tpu.memory_space<hbm>> -> memref<8192x64xf32, #tpu.memory_space<hbm>>
      tpu.enqueue_indirect_dma source(%dma_start3A_87 : memref<8192x64xf32, #tpu.memory_space<hbm>>) target(%dma_start3A_81 : memref<128x64xf32, #tpu.memory_space<vmem>>) offsets(%dma_start3A_84 : memref<128xi32, #tpu.memory_space<vmem>>) semaphore(%arg7 : memref<!tpu.dma_semaphore, #tpu.memory_space<semaphore_mem>>)
      %mul3A_88 = arith.constant 8 : i32
      %mul3A_89 = arith.muli %scan3A_10, %mul3A_88 : i32
      %add3A_90 = arith.constant 6 : i32
      %add3A_91 = arith.addi %mul3A_89, %add3A_90 : i32
      %dma_start3A_92 = arith.constant 768 : i32
      %dma_start3A_93 = arith.constant 0 : i32
      %dma_start3A_94 = tpu.memref_slice %arg6[%dma_start3A_92, %dma_start3A_93] : memref<1024x64xf32, #tpu.memory_space<vmem>> -> memref<128x64xf32, #tpu.memory_space<vmem>>
      %dma_start3A_95 = arith.constant 0 : i32
      %dma_start3A_96 = tpu.memref_slice %arg5[%add3A_91, %dma_start3A_95] : memref<32x128xi32, #tpu.memory_space<vmem>> -> memref<1x128xi32, #tpu.memory_space<vmem>>
      %dma_start3A_97 = tpu.memref_squeeze %dma_start3A_96 : memref<1x128xi32, #tpu.memory_space<vmem>> -> memref<128xi32, #tpu.memory_space<vmem>>
      %dma_start3A_98 = arith.constant 0 : i32
      %dma_start3A_99 = arith.constant 0 : i32
      %dma_start3A_100 = tpu.memref_slice %arg2[%dma_start3A_98, %dma_start3A_99] : memref<8192x64xf32, #tpu.memory_space<hbm>> -> memref<8192x64xf32, #tpu.memory_space<hbm>>
      tpu.enqueue_indirect_dma source(%dma_start3A_100 : memref<8192x64xf32, #tpu.memory_space<hbm>>) target(%dma_start3A_94 : memref<128x64xf32, #tpu.memory_space<vmem>>) offsets(%dma_start3A_97 : memref<128xi32, #tpu.memory_space<vmem>>) semaphore(%arg7 : memref<!tpu.dma_semaphore, #tpu.memory_space<semaphore_mem>>)
      %mul3A_101 = arith.constant 8 : i32
      %mul3A_102 = arith.muli %scan3A_10, %mul3A_101 : i32
      %add3A_103 = arith.constant 7 : i32
      %add3A_104 = arith.addi %mul3A_102, %add3A_103 : i32
      %dma_start3A_105 = arith.constant 896 : i32
      %dma_start3A_106 = arith.constant 0 : i32
      %dma_start3A_107 = tpu.memref_slice %arg6[%dma_start3A_105, %dma_start3A_106] : memref<1024x64xf32, #tpu.memory_space<vmem>> -> memref<128x64xf32, #tpu.memory_space<vmem>>
      %dma_start3A_108 = arith.constant 0 : i32
      %dma_start3A_109 = tpu.memref_slice %arg5[%add3A_104, %dma_start3A_108] : memref<32x128xi32, #tpu.memory_space<vmem>> -> memref<1x128xi32, #tpu.memory_space<vmem>>
      %dma_start3A_110 = tpu.memref_squeeze %dma_start3A_109 : memref<1x128xi32, #tpu.memory_space<vmem>> -> memref<128xi32, #tpu.memory_space<vmem>>
      %dma_start3A_111 = arith.constant 0 : i32
      %dma_start3A_112 = arith.constant 0 : i32
      %dma_start3A_113 = tpu.memref_slice %arg2[%dma_start3A_111, %dma_start3A_112] : memref<8192x64xf32, #tpu.memory_space<hbm>> -> memref<8192x64xf32, #tpu.memory_space<hbm>>
      tpu.enqueue_indirect_dma source(%dma_start3A_113 : memref<8192x64xf32, #tpu.memory_space<hbm>>) target(%dma_start3A_107 : memref<128x64xf32, #tpu.memory_space<vmem>>) offsets(%dma_start3A_110 : memref<128xi32, #tpu.memory_space<vmem>>) semaphore(%arg7 : memref<!tpu.dma_semaphore, #tpu.memory_space<semaphore_mem>>)
      %dma_wait3A = arith.constant 0 : i32
      %dma_wait3A_114 = arith.constant 0 : i32
      %dma_wait3A_115 = tpu.memref_slice %arg2[%dma_wait3A, %dma_wait3A_114] : memref<8192x64xf32, #tpu.memory_space<hbm>> -> memref<1024x64xf32, #tpu.memory_space<hbm>>
      %dma_wait3A_116 = arith.constant 0 : i32
      %dma_wait3A_117 = arith.constant 0 : i32
      %dma_wait3A_118 = tpu.memref_slice %arg2[%dma_wait3A_116, %dma_wait3A_117] : memref<8192x64xf32, #tpu.memory_space<hbm>> -> memref<1024x64xf32, #tpu.memory_space<hbm>>
      tpu.wait_dma2 semaphore(%arg7 : memref<!tpu.dma_semaphore, #tpu.memory_space<semaphore_mem>>) src(%dma_wait3A_118 : memref<1024x64xf32, #tpu.memory_space<hbm>>) dst(%arg6 : memref<1024x64xf32, #tpu.memory_space<vmem>>)
      %mul3A_119 = arith.constant 1024 : i32
      %mul3A_120 = arith.muli %scan3A_10, %mul3A_119 : i32
      %add3A_121 = arith.addi %mul3A_2, %mul3A_120 : i32
      "tpu.region"() ({
        %run_scoped3A = tpu.sem_alloc : memref<!tpu.dma_semaphore, #tpu.memory_space<semaphore_mem>>
        %dma_start3A_122 = arith.constant 0 : i32
        %dma_start3A_123 = tpu.memref_slice %arg4[%add3A_121, %dma_start3A_122] : memref<131072x64xf32, #tpu.memory_space<hbm>> -> memref<1024x64xf32, #tpu.memory_space<hbm>>
        %dma_start3A_124 = arith.constant 0 : i32
        %dma_start3A_125 = tpu.memref_slice %arg4[%add3A_121, %dma_start3A_124] : memref<131072x64xf32, #tpu.memory_space<hbm>> -> memref<1024x64xf32, #tpu.memory_space<hbm>>
        tpu.enqueue_dma source(%arg6 : memref<1024x64xf32, #tpu.memory_space<vmem>>) target(%dma_start3A_125 : memref<1024x64xf32, #tpu.memory_space<hbm>>) target_semaphore(%run_scoped3A : memref<!tpu.dma_semaphore, #tpu.memory_space<semaphore_mem>>)
        %dma_wait3A_126 = arith.constant 0 : i32
        %dma_wait3A_127 = tpu.memref_slice %arg4[%add3A_121, %dma_wait3A_126] : memref<131072x64xf32, #tpu.memory_space<hbm>> -> memref<1024x64xf32, #tpu.memory_space<hbm>>
        %dma_wait3A_128 = arith.constant 0 : i32
        %dma_wait3A_129 = tpu.memref_slice %arg4[%add3A_121, %dma_wait3A_128] : memref<131072x64xf32, #tpu.memory_space<hbm>> -> memref<1024x64xf32, #tpu.memory_space<hbm>>
        tpu.wait_dma2 semaphore(%run_scoped3A : memref<!tpu.dma_semaphore, #tpu.memory_space<semaphore_mem>>) src(%arg6 : memref<1024x64xf32, #tpu.memory_space<vmem>>) dst(%dma_wait3A_129 : memref<1024x64xf32, #tpu.memory_space<hbm>>)
        tpu.yield
      }) : () -> ()
    }
    %scan3A_9 = arith.constant 4 : i32
    return
  }
}

module attributes {stable_mosaic.version = 14 : i64} {
  func.func @_argmin_body(%arg0: i32, %arg1: memref<1024x64xf32, #tpu.memory_space<vmem>>, %arg2: memref<1024x1xf32, #tpu.memory_space<vmem>>, %arg3: memref<8192x64xf32, #tpu.memory_space<vmem>>, %arg4: memref<1x8192xf32, #tpu.memory_space<vmem>>, %arg5: memref<1024x1xi32, #tpu.memory_space<vmem>>, %arg6: memref<1x1x1xf32, #tpu.memory_space<vmem>>) attributes {dimension_semantics = [#tpu.dimension_semantics<arbitrary>], iteration_bounds = array<i64: 128>, scalar_prefetch = 0 : i64, scratch_operands = 0 : i64, tpu.core_type = #tpu.core_type<tc>, window_params = [{transform_indices = @transform_0, window_bounds = array<i64: 1024, 64>}, {transform_indices = @transform_1, window_bounds = array<i64: 1024, 1>}, {pipeline_mode = #tpu.pipeline_mode<synchronous>, transform_indices = @transform_2, window_bounds = array<i64: 8192, 64>}, {pipeline_mode = #tpu.pipeline_mode<synchronous>, transform_indices = @transform_3, window_bounds = array<i64: 1, 8192>}, {transform_indices = @transform_4, window_bounds = array<i64: 1024, 1>}, {transform_indices = @transform_5, window_bounds = array<i64: 1, 1, 1>}]} {
    %get3A = arith.constant 0 : index
    %get3A_0 = arith.constant 0 : index
    %get3A_1 = vector.load %arg1[%get3A, %get3A_0] : memref<1024x64xf32, #tpu.memory_space<vmem>>, vector<1024x64xf32>
    %mul3A = arith.constant -2.000000e+00 : f32
    %mul3A_2 = vector.broadcast %mul3A : f32 to vector<1024x64xf32>
    %mul3A_3 = arith.mulf %get3A_1, %mul3A_2 : vector<1024x64xf32>
    %get3A_4 = arith.constant 0 : index
    %get3A_5 = arith.constant 0 : index
    %get3A_6 = vector.load %arg2[%get3A_4, %get3A_5] : memref<1024x1xf32, #tpu.memory_space<vmem>>, vector<1024x1xf32>
    %iota3A = tpu.iota {dimensions = array<i32: 1>} : vector<1024x1024xi32>
    %convert_element_type3A = arith.sitofp %iota3A : vector<1024x1024xi32> to vector<1024x1024xf32>
    %broadcast_in_dim3A = arith.constant 0x7F800000 : f32
    %broadcast_in_dim3A_7 = vector.broadcast %broadcast_in_dim3A : f32 to vector<1024x1xf32>
    %broadcast_in_dim3A_8 = arith.constant 0.000000e+00 : f32
    %broadcast_in_dim3A_9 = vector.broadcast %broadcast_in_dim3A_8 : f32 to vector<1024x1xf32>
    %scan3A = arith.constant 0 : i32
    %mul3A_10 = arith.constant 1024 : i32
    %mul3A_11 = arith.muli %scan3A, %mul3A_10 : i32
    %get3A_12 = arith.index_cast %mul3A_11 : i32 to index
    %get3A_13 = arith.constant 0 : index
    %get3A_14 = vector.load %arg3[%get3A_12, %get3A_13] : memref<8192x64xf32, #tpu.memory_space<vmem>>, vector<1024x64xf32>
    %mul3A_15 = arith.constant 1024 : i32
    %mul3A_16 = arith.muli %scan3A, %mul3A_15 : i32
    %get3A_17 = arith.constant 0 : index
    %get3A_18 = arith.index_cast %mul3A_16 : i32 to index
    %get3A_19 = vector.load %arg4[%get3A_17, %get3A_18] : memref<1x8192xf32, #tpu.memory_space<vmem>>, vector<1x1024xf32>
    %dot_general3A = arith.constant dense<0.000000e+00> : vector<1024x1024xf32>
    %dot_general3A_20 = tpu.matmul %mul3A_3, %get3A_14, %dot_general3A {dimension_numbers = #tpu.dot_dimension_numbers<[1], [1], [0], [0], [0, 0, 1, 0], [], []>, transpose_lhs_hint = false} : vector<1024x64xf32>, vector<1024x64xf32>, vector<1024x1024xf32> -> vector<1024x1024xf32>
    %add3A = vector.broadcast %get3A_6 : vector<1024x1xf32> to vector<1024x1024xf32>
    %add3A_21 = vector.broadcast %get3A_19 : vector<1x1024xf32> to vector<1024x1024xf32>
    %add3A_22 = arith.addf %add3A, %add3A_21 : vector<1024x1024xf32>
    %add3A_23 = arith.addf %add3A_22, %dot_general3A_20 : vector<1024x1024xf32>
    %reduce_min3A = arith.constant dense<0x7F800000> : vector<1024xf32>
    %reduce_min3A_24 = vector.multi_reduction <minimumf>, %add3A_23, %reduce_min3A [1] : vector<1024x1024xf32> to vector<1024xf32>
    %broadcast_in_dim3A_25 = vector.shape_cast %reduce_min3A_24 : vector<1024xf32> to vector<1024x1xf32>
    %eq3A = vector.broadcast %broadcast_in_dim3A_25 : vector<1024x1xf32> to vector<1024x1024xf32>
    %eq3A_26 = arith.cmpf oeq, %add3A_23, %eq3A : vector<1024x1024xf32>
    %jit3A = arith.constant 8.192000e+03 : f32
    %broadcast_in_dim3A_27 = vector.broadcast %jit3A : f32 to vector<1024x1024xf32>
    %select_n3A = arith.select %eq3A_26, %convert_element_type3A, %broadcast_in_dim3A_27 : vector<1024x1024xi1>, vector<1024x1024xf32>
    %reduce_min3A_28 = arith.constant dense<0x7F800000> : vector<1024xf32>
    %reduce_min3A_29 = vector.multi_reduction <minimumf>, %select_n3A, %reduce_min3A_28 [1] : vector<1024x1024xf32> to vector<1024xf32>
    %broadcast_in_dim3A_30 = vector.shape_cast %reduce_min3A_29 : vector<1024xf32> to vector<1024x1xf32>
    %convert_element_type3A_31 = arith.sitofp %scan3A : i32 to f32
    %mul3A_32 = arith.constant 1.024000e+03 : f32
    %mul3A_33 = arith.mulf %convert_element_type3A_31, %mul3A_32 : f32
    %add3A_34 = vector.broadcast %mul3A_33 : f32 to vector<1024x1xf32>
    %add3A_35 = arith.addf %broadcast_in_dim3A_30, %add3A_34 : vector<1024x1xf32>
    %lt3A = arith.cmpf olt, %broadcast_in_dim3A_25, %broadcast_in_dim3A_7 : vector<1024x1xf32>
    %select_n3A_36 = arith.select %lt3A, %broadcast_in_dim3A_25, %broadcast_in_dim3A_7 : vector<1024x1xi1>, vector<1024x1xf32>
    %select_n3A_37 = arith.select %lt3A, %add3A_35, %broadcast_in_dim3A_9 : vector<1024x1xi1>, vector<1024x1xf32>
    %scan3A_38 = arith.constant 1 : i32
    %mul3A_39 = arith.constant 1024 : i32
    %mul3A_40 = arith.muli %scan3A_38, %mul3A_39 : i32
    %get3A_41 = arith.index_cast %mul3A_40 : i32 to index
    %get3A_42 = arith.constant 0 : index
    %get3A_43 = vector.load %arg3[%get3A_41, %get3A_42] : memref<8192x64xf32, #tpu.memory_space<vmem>>, vector<1024x64xf32>
    %mul3A_44 = arith.constant 1024 : i32
    %mul3A_45 = arith.muli %scan3A_38, %mul3A_44 : i32
    %get3A_46 = arith.constant 0 : index
    %get3A_47 = arith.index_cast %mul3A_45 : i32 to index
    %get3A_48 = vector.load %arg4[%get3A_46, %get3A_47] : memref<1x8192xf32, #tpu.memory_space<vmem>>, vector<1x1024xf32>
    %dot_general3A_49 = arith.constant dense<0.000000e+00> : vector<1024x1024xf32>
    %dot_general3A_50 = tpu.matmul %mul3A_3, %get3A_43, %dot_general3A_49 {dimension_numbers = #tpu.dot_dimension_numbers<[1], [1], [0], [0], [0, 0, 1, 0], [], []>, transpose_lhs_hint = false} : vector<1024x64xf32>, vector<1024x64xf32>, vector<1024x1024xf32> -> vector<1024x1024xf32>
    %add3A_51 = vector.broadcast %get3A_6 : vector<1024x1xf32> to vector<1024x1024xf32>
    %add3A_52 = vector.broadcast %get3A_48 : vector<1x1024xf32> to vector<1024x1024xf32>
    %add3A_53 = arith.addf %add3A_51, %add3A_52 : vector<1024x1024xf32>
    %add3A_54 = arith.addf %add3A_53, %dot_general3A_50 : vector<1024x1024xf32>
    %reduce_min3A_55 = arith.constant dense<0x7F800000> : vector<1024xf32>
    %reduce_min3A_56 = vector.multi_reduction <minimumf>, %add3A_54, %reduce_min3A_55 [1] : vector<1024x1024xf32> to vector<1024xf32>
    %broadcast_in_dim3A_57 = vector.shape_cast %reduce_min3A_56 : vector<1024xf32> to vector<1024x1xf32>
    %eq3A_58 = vector.broadcast %broadcast_in_dim3A_57 : vector<1024x1xf32> to vector<1024x1024xf32>
    %eq3A_59 = arith.cmpf oeq, %add3A_54, %eq3A_58 : vector<1024x1024xf32>
    %jit3A_60 = arith.constant 8.192000e+03 : f32
    %broadcast_in_dim3A_61 = vector.broadcast %jit3A_60 : f32 to vector<1024x1024xf32>
    %select_n3A_62 = arith.select %eq3A_59, %convert_element_type3A, %broadcast_in_dim3A_61 : vector<1024x1024xi1>, vector<1024x1024xf32>
    %reduce_min3A_63 = arith.constant dense<0x7F800000> : vector<1024xf32>
    %reduce_min3A_64 = vector.multi_reduction <minimumf>, %select_n3A_62, %reduce_min3A_63 [1] : vector<1024x1024xf32> to vector<1024xf32>
    %broadcast_in_dim3A_65 = vector.shape_cast %reduce_min3A_64 : vector<1024xf32> to vector<1024x1xf32>
    %convert_element_type3A_66 = arith.sitofp %scan3A_38 : i32 to f32
    %mul3A_67 = arith.constant 1.024000e+03 : f32
    %mul3A_68 = arith.mulf %convert_element_type3A_66, %mul3A_67 : f32
    %add3A_69 = vector.broadcast %mul3A_68 : f32 to vector<1024x1xf32>
    %add3A_70 = arith.addf %broadcast_in_dim3A_65, %add3A_69 : vector<1024x1xf32>
    %lt3A_71 = arith.cmpf olt, %broadcast_in_dim3A_57, %select_n3A_36 : vector<1024x1xf32>
    %select_n3A_72 = arith.select %lt3A_71, %broadcast_in_dim3A_57, %select_n3A_36 : vector<1024x1xi1>, vector<1024x1xf32>
    %select_n3A_73 = arith.select %lt3A_71, %add3A_70, %select_n3A_37 : vector<1024x1xi1>, vector<1024x1xf32>
    %scan3A_74 = arith.constant 2 : i32
    %mul3A_75 = arith.constant 1024 : i32
    %mul3A_76 = arith.muli %scan3A_74, %mul3A_75 : i32
    %get3A_77 = arith.index_cast %mul3A_76 : i32 to index
    %get3A_78 = arith.constant 0 : index
    %get3A_79 = vector.load %arg3[%get3A_77, %get3A_78] : memref<8192x64xf32, #tpu.memory_space<vmem>>, vector<1024x64xf32>
    %mul3A_80 = arith.constant 1024 : i32
    %mul3A_81 = arith.muli %scan3A_74, %mul3A_80 : i32
    %get3A_82 = arith.constant 0 : index
    %get3A_83 = arith.index_cast %mul3A_81 : i32 to index
    %get3A_84 = vector.load %arg4[%get3A_82, %get3A_83] : memref<1x8192xf32, #tpu.memory_space<vmem>>, vector<1x1024xf32>
    %dot_general3A_85 = arith.constant dense<0.000000e+00> : vector<1024x1024xf32>
    %dot_general3A_86 = tpu.matmul %mul3A_3, %get3A_79, %dot_general3A_85 {dimension_numbers = #tpu.dot_dimension_numbers<[1], [1], [0], [0], [0, 0, 1, 0], [], []>, transpose_lhs_hint = false} : vector<1024x64xf32>, vector<1024x64xf32>, vector<1024x1024xf32> -> vector<1024x1024xf32>
    %add3A_87 = vector.broadcast %get3A_6 : vector<1024x1xf32> to vector<1024x1024xf32>
    %add3A_88 = vector.broadcast %get3A_84 : vector<1x1024xf32> to vector<1024x1024xf32>
    %add3A_89 = arith.addf %add3A_87, %add3A_88 : vector<1024x1024xf32>
    %add3A_90 = arith.addf %add3A_89, %dot_general3A_86 : vector<1024x1024xf32>
    %reduce_min3A_91 = arith.constant dense<0x7F800000> : vector<1024xf32>
    %reduce_min3A_92 = vector.multi_reduction <minimumf>, %add3A_90, %reduce_min3A_91 [1] : vector<1024x1024xf32> to vector<1024xf32>
    %broadcast_in_dim3A_93 = vector.shape_cast %reduce_min3A_92 : vector<1024xf32> to vector<1024x1xf32>
    %eq3A_94 = vector.broadcast %broadcast_in_dim3A_93 : vector<1024x1xf32> to vector<1024x1024xf32>
    %eq3A_95 = arith.cmpf oeq, %add3A_90, %eq3A_94 : vector<1024x1024xf32>
    %jit3A_96 = arith.constant 8.192000e+03 : f32
    %broadcast_in_dim3A_97 = vector.broadcast %jit3A_96 : f32 to vector<1024x1024xf32>
    %select_n3A_98 = arith.select %eq3A_95, %convert_element_type3A, %broadcast_in_dim3A_97 : vector<1024x1024xi1>, vector<1024x1024xf32>
    %reduce_min3A_99 = arith.constant dense<0x7F800000> : vector<1024xf32>
    %reduce_min3A_100 = vector.multi_reduction <minimumf>, %select_n3A_98, %reduce_min3A_99 [1] : vector<1024x1024xf32> to vector<1024xf32>
    %broadcast_in_dim3A_101 = vector.shape_cast %reduce_min3A_100 : vector<1024xf32> to vector<1024x1xf32>
    %convert_element_type3A_102 = arith.sitofp %scan3A_74 : i32 to f32
    %mul3A_103 = arith.constant 1.024000e+03 : f32
    %mul3A_104 = arith.mulf %convert_element_type3A_102, %mul3A_103 : f32
    %add3A_105 = vector.broadcast %mul3A_104 : f32 to vector<1024x1xf32>
    %add3A_106 = arith.addf %broadcast_in_dim3A_101, %add3A_105 : vector<1024x1xf32>
    %lt3A_107 = arith.cmpf olt, %broadcast_in_dim3A_93, %select_n3A_72 : vector<1024x1xf32>
    %select_n3A_108 = arith.select %lt3A_107, %broadcast_in_dim3A_93, %select_n3A_72 : vector<1024x1xi1>, vector<1024x1xf32>
    %select_n3A_109 = arith.select %lt3A_107, %add3A_106, %select_n3A_73 : vector<1024x1xi1>, vector<1024x1xf32>
    %scan3A_110 = arith.constant 3 : i32
    %mul3A_111 = arith.constant 1024 : i32
    %mul3A_112 = arith.muli %scan3A_110, %mul3A_111 : i32
    %get3A_113 = arith.index_cast %mul3A_112 : i32 to index
    %get3A_114 = arith.constant 0 : index
    %get3A_115 = vector.load %arg3[%get3A_113, %get3A_114] : memref<8192x64xf32, #tpu.memory_space<vmem>>, vector<1024x64xf32>
    %mul3A_116 = arith.constant 1024 : i32
    %mul3A_117 = arith.muli %scan3A_110, %mul3A_116 : i32
    %get3A_118 = arith.constant 0 : index
    %get3A_119 = arith.index_cast %mul3A_117 : i32 to index
    %get3A_120 = vector.load %arg4[%get3A_118, %get3A_119] : memref<1x8192xf32, #tpu.memory_space<vmem>>, vector<1x1024xf32>
    %dot_general3A_121 = arith.constant dense<0.000000e+00> : vector<1024x1024xf32>
    %dot_general3A_122 = tpu.matmul %mul3A_3, %get3A_115, %dot_general3A_121 {dimension_numbers = #tpu.dot_dimension_numbers<[1], [1], [0], [0], [0, 0, 1, 0], [], []>, transpose_lhs_hint = false} : vector<1024x64xf32>, vector<1024x64xf32>, vector<1024x1024xf32> -> vector<1024x1024xf32>
    %add3A_123 = vector.broadcast %get3A_6 : vector<1024x1xf32> to vector<1024x1024xf32>
    %add3A_124 = vector.broadcast %get3A_120 : vector<1x1024xf32> to vector<1024x1024xf32>
    %add3A_125 = arith.addf %add3A_123, %add3A_124 : vector<1024x1024xf32>
    %add3A_126 = arith.addf %add3A_125, %dot_general3A_122 : vector<1024x1024xf32>
    %reduce_min3A_127 = arith.constant dense<0x7F800000> : vector<1024xf32>
    %reduce_min3A_128 = vector.multi_reduction <minimumf>, %add3A_126, %reduce_min3A_127 [1] : vector<1024x1024xf32> to vector<1024xf32>
    %broadcast_in_dim3A_129 = vector.shape_cast %reduce_min3A_128 : vector<1024xf32> to vector<1024x1xf32>
    %eq3A_130 = vector.broadcast %broadcast_in_dim3A_129 : vector<1024x1xf32> to vector<1024x1024xf32>
    %eq3A_131 = arith.cmpf oeq, %add3A_126, %eq3A_130 : vector<1024x1024xf32>
    %jit3A_132 = arith.constant 8.192000e+03 : f32
    %broadcast_in_dim3A_133 = vector.broadcast %jit3A_132 : f32 to vector<1024x1024xf32>
    %select_n3A_134 = arith.select %eq3A_131, %convert_element_type3A, %broadcast_in_dim3A_133 : vector<1024x1024xi1>, vector<1024x1024xf32>
    %reduce_min3A_135 = arith.constant dense<0x7F800000> : vector<1024xf32>
    %reduce_min3A_136 = vector.multi_reduction <minimumf>, %select_n3A_134, %reduce_min3A_135 [1] : vector<1024x1024xf32> to vector<1024xf32>
    %broadcast_in_dim3A_137 = vector.shape_cast %reduce_min3A_136 : vector<1024xf32> to vector<1024x1xf32>
    %convert_element_type3A_138 = arith.sitofp %scan3A_110 : i32 to f32
    %mul3A_139 = arith.constant 1.024000e+03 : f32
    %mul3A_140 = arith.mulf %convert_element_type3A_138, %mul3A_139 : f32
    %add3A_141 = vector.broadcast %mul3A_140 : f32 to vector<1024x1xf32>
    %add3A_142 = arith.addf %broadcast_in_dim3A_137, %add3A_141 : vector<1024x1xf32>
    %lt3A_143 = arith.cmpf olt, %broadcast_in_dim3A_129, %select_n3A_108 : vector<1024x1xf32>
    %select_n3A_144 = arith.select %lt3A_143, %broadcast_in_dim3A_129, %select_n3A_108 : vector<1024x1xi1>, vector<1024x1xf32>
    %select_n3A_145 = arith.select %lt3A_143, %add3A_142, %select_n3A_109 : vector<1024x1xi1>, vector<1024x1xf32>
    %scan3A_146 = arith.constant 4 : i32
    %mul3A_147 = arith.constant 1024 : i32
    %mul3A_148 = arith.muli %scan3A_146, %mul3A_147 : i32
    %get3A_149 = arith.index_cast %mul3A_148 : i32 to index
    %get3A_150 = arith.constant 0 : index
    %get3A_151 = vector.load %arg3[%get3A_149, %get3A_150] : memref<8192x64xf32, #tpu.memory_space<vmem>>, vector<1024x64xf32>
    %mul3A_152 = arith.constant 1024 : i32
    %mul3A_153 = arith.muli %scan3A_146, %mul3A_152 : i32
    %get3A_154 = arith.constant 0 : index
    %get3A_155 = arith.index_cast %mul3A_153 : i32 to index
    %get3A_156 = vector.load %arg4[%get3A_154, %get3A_155] : memref<1x8192xf32, #tpu.memory_space<vmem>>, vector<1x1024xf32>
    %dot_general3A_157 = arith.constant dense<0.000000e+00> : vector<1024x1024xf32>
    %dot_general3A_158 = tpu.matmul %mul3A_3, %get3A_151, %dot_general3A_157 {dimension_numbers = #tpu.dot_dimension_numbers<[1], [1], [0], [0], [0, 0, 1, 0], [], []>, transpose_lhs_hint = false} : vector<1024x64xf32>, vector<1024x64xf32>, vector<1024x1024xf32> -> vector<1024x1024xf32>
    %add3A_159 = vector.broadcast %get3A_6 : vector<1024x1xf32> to vector<1024x1024xf32>
    %add3A_160 = vector.broadcast %get3A_156 : vector<1x1024xf32> to vector<1024x1024xf32>
    %add3A_161 = arith.addf %add3A_159, %add3A_160 : vector<1024x1024xf32>
    %add3A_162 = arith.addf %add3A_161, %dot_general3A_158 : vector<1024x1024xf32>
    %reduce_min3A_163 = arith.constant dense<0x7F800000> : vector<1024xf32>
    %reduce_min3A_164 = vector.multi_reduction <minimumf>, %add3A_162, %reduce_min3A_163 [1] : vector<1024x1024xf32> to vector<1024xf32>
    %broadcast_in_dim3A_165 = vector.shape_cast %reduce_min3A_164 : vector<1024xf32> to vector<1024x1xf32>
    %eq3A_166 = vector.broadcast %broadcast_in_dim3A_165 : vector<1024x1xf32> to vector<1024x1024xf32>
    %eq3A_167 = arith.cmpf oeq, %add3A_162, %eq3A_166 : vector<1024x1024xf32>
    %jit3A_168 = arith.constant 8.192000e+03 : f32
    %broadcast_in_dim3A_169 = vector.broadcast %jit3A_168 : f32 to vector<1024x1024xf32>
    %select_n3A_170 = arith.select %eq3A_167, %convert_element_type3A, %broadcast_in_dim3A_169 : vector<1024x1024xi1>, vector<1024x1024xf32>
    %reduce_min3A_171 = arith.constant dense<0x7F800000> : vector<1024xf32>
    %reduce_min3A_172 = vector.multi_reduction <minimumf>, %select_n3A_170, %reduce_min3A_171 [1] : vector<1024x1024xf32> to vector<1024xf32>
    %broadcast_in_dim3A_173 = vector.shape_cast %reduce_min3A_172 : vector<1024xf32> to vector<1024x1xf32>
    %convert_element_type3A_174 = arith.sitofp %scan3A_146 : i32 to f32
    %mul3A_175 = arith.constant 1.024000e+03 : f32
    %mul3A_176 = arith.mulf %convert_element_type3A_174, %mul3A_175 : f32
    %add3A_177 = vector.broadcast %mul3A_176 : f32 to vector<1024x1xf32>
    %add3A_178 = arith.addf %broadcast_in_dim3A_173, %add3A_177 : vector<1024x1xf32>
    %lt3A_179 = arith.cmpf olt, %broadcast_in_dim3A_165, %select_n3A_144 : vector<1024x1xf32>
    %select_n3A_180 = arith.select %lt3A_179, %broadcast_in_dim3A_165, %select_n3A_144 : vector<1024x1xi1>, vector<1024x1xf32>
    %select_n3A_181 = arith.select %lt3A_179, %add3A_178, %select_n3A_145 : vector<1024x1xi1>, vector<1024x1xf32>
    %scan3A_182 = arith.constant 5 : i32
    %mul3A_183 = arith.constant 1024 : i32
    %mul3A_184 = arith.muli %scan3A_182, %mul3A_183 : i32
    %get3A_185 = arith.index_cast %mul3A_184 : i32 to index
    %get3A_186 = arith.constant 0 : index
    %get3A_187 = vector.load %arg3[%get3A_185, %get3A_186] : memref<8192x64xf32, #tpu.memory_space<vmem>>, vector<1024x64xf32>
    %mul3A_188 = arith.constant 1024 : i32
    %mul3A_189 = arith.muli %scan3A_182, %mul3A_188 : i32
    %get3A_190 = arith.constant 0 : index
    %get3A_191 = arith.index_cast %mul3A_189 : i32 to index
    %get3A_192 = vector.load %arg4[%get3A_190, %get3A_191] : memref<1x8192xf32, #tpu.memory_space<vmem>>, vector<1x1024xf32>
    %dot_general3A_193 = arith.constant dense<0.000000e+00> : vector<1024x1024xf32>
    %dot_general3A_194 = tpu.matmul %mul3A_3, %get3A_187, %dot_general3A_193 {dimension_numbers = #tpu.dot_dimension_numbers<[1], [1], [0], [0], [0, 0, 1, 0], [], []>, transpose_lhs_hint = false} : vector<1024x64xf32>, vector<1024x64xf32>, vector<1024x1024xf32> -> vector<1024x1024xf32>
    %add3A_195 = vector.broadcast %get3A_6 : vector<1024x1xf32> to vector<1024x1024xf32>
    %add3A_196 = vector.broadcast %get3A_192 : vector<1x1024xf32> to vector<1024x1024xf32>
    %add3A_197 = arith.addf %add3A_195, %add3A_196 : vector<1024x1024xf32>
    %add3A_198 = arith.addf %add3A_197, %dot_general3A_194 : vector<1024x1024xf32>
    %reduce_min3A_199 = arith.constant dense<0x7F800000> : vector<1024xf32>
    %reduce_min3A_200 = vector.multi_reduction <minimumf>, %add3A_198, %reduce_min3A_199 [1] : vector<1024x1024xf32> to vector<1024xf32>
    %broadcast_in_dim3A_201 = vector.shape_cast %reduce_min3A_200 : vector<1024xf32> to vector<1024x1xf32>
    %eq3A_202 = vector.broadcast %broadcast_in_dim3A_201 : vector<1024x1xf32> to vector<1024x1024xf32>
    %eq3A_203 = arith.cmpf oeq, %add3A_198, %eq3A_202 : vector<1024x1024xf32>
    %jit3A_204 = arith.constant 8.192000e+03 : f32
    %broadcast_in_dim3A_205 = vector.broadcast %jit3A_204 : f32 to vector<1024x1024xf32>
    %select_n3A_206 = arith.select %eq3A_203, %convert_element_type3A, %broadcast_in_dim3A_205 : vector<1024x1024xi1>, vector<1024x1024xf32>
    %reduce_min3A_207 = arith.constant dense<0x7F800000> : vector<1024xf32>
    %reduce_min3A_208 = vector.multi_reduction <minimumf>, %select_n3A_206, %reduce_min3A_207 [1] : vector<1024x1024xf32> to vector<1024xf32>
    %broadcast_in_dim3A_209 = vector.shape_cast %reduce_min3A_208 : vector<1024xf32> to vector<1024x1xf32>
    %convert_element_type3A_210 = arith.sitofp %scan3A_182 : i32 to f32
    %mul3A_211 = arith.constant 1.024000e+03 : f32
    %mul3A_212 = arith.mulf %convert_element_type3A_210, %mul3A_211 : f32
    %add3A_213 = vector.broadcast %mul3A_212 : f32 to vector<1024x1xf32>
    %add3A_214 = arith.addf %broadcast_in_dim3A_209, %add3A_213 : vector<1024x1xf32>
    %lt3A_215 = arith.cmpf olt, %broadcast_in_dim3A_201, %select_n3A_180 : vector<1024x1xf32>
    %select_n3A_216 = arith.select %lt3A_215, %broadcast_in_dim3A_201, %select_n3A_180 : vector<1024x1xi1>, vector<1024x1xf32>
    %select_n3A_217 = arith.select %lt3A_215, %add3A_214, %select_n3A_181 : vector<1024x1xi1>, vector<1024x1xf32>
    %scan3A_218 = arith.constant 6 : i32
    %mul3A_219 = arith.constant 1024 : i32
    %mul3A_220 = arith.muli %scan3A_218, %mul3A_219 : i32
    %get3A_221 = arith.index_cast %mul3A_220 : i32 to index
    %get3A_222 = arith.constant 0 : index
    %get3A_223 = vector.load %arg3[%get3A_221, %get3A_222] : memref<8192x64xf32, #tpu.memory_space<vmem>>, vector<1024x64xf32>
    %mul3A_224 = arith.constant 1024 : i32
    %mul3A_225 = arith.muli %scan3A_218, %mul3A_224 : i32
    %get3A_226 = arith.constant 0 : index
    %get3A_227 = arith.index_cast %mul3A_225 : i32 to index
    %get3A_228 = vector.load %arg4[%get3A_226, %get3A_227] : memref<1x8192xf32, #tpu.memory_space<vmem>>, vector<1x1024xf32>
    %dot_general3A_229 = arith.constant dense<0.000000e+00> : vector<1024x1024xf32>
    %dot_general3A_230 = tpu.matmul %mul3A_3, %get3A_223, %dot_general3A_229 {dimension_numbers = #tpu.dot_dimension_numbers<[1], [1], [0], [0], [0, 0, 1, 0], [], []>, transpose_lhs_hint = false} : vector<1024x64xf32>, vector<1024x64xf32>, vector<1024x1024xf32> -> vector<1024x1024xf32>
    %add3A_231 = vector.broadcast %get3A_6 : vector<1024x1xf32> to vector<1024x1024xf32>
    %add3A_232 = vector.broadcast %get3A_228 : vector<1x1024xf32> to vector<1024x1024xf32>
    %add3A_233 = arith.addf %add3A_231, %add3A_232 : vector<1024x1024xf32>
    %add3A_234 = arith.addf %add3A_233, %dot_general3A_230 : vector<1024x1024xf32>
    %reduce_min3A_235 = arith.constant dense<0x7F800000> : vector<1024xf32>
    %reduce_min3A_236 = vector.multi_reduction <minimumf>, %add3A_234, %reduce_min3A_235 [1] : vector<1024x1024xf32> to vector<1024xf32>
    %broadcast_in_dim3A_237 = vector.shape_cast %reduce_min3A_236 : vector<1024xf32> to vector<1024x1xf32>
    %eq3A_238 = vector.broadcast %broadcast_in_dim3A_237 : vector<1024x1xf32> to vector<1024x1024xf32>
    %eq3A_239 = arith.cmpf oeq, %add3A_234, %eq3A_238 : vector<1024x1024xf32>
    %jit3A_240 = arith.constant 8.192000e+03 : f32
    %broadcast_in_dim3A_241 = vector.broadcast %jit3A_240 : f32 to vector<1024x1024xf32>
    %select_n3A_242 = arith.select %eq3A_239, %convert_element_type3A, %broadcast_in_dim3A_241 : vector<1024x1024xi1>, vector<1024x1024xf32>
    %reduce_min3A_243 = arith.constant dense<0x7F800000> : vector<1024xf32>
    %reduce_min3A_244 = vector.multi_reduction <minimumf>, %select_n3A_242, %reduce_min3A_243 [1] : vector<1024x1024xf32> to vector<1024xf32>
    %broadcast_in_dim3A_245 = vector.shape_cast %reduce_min3A_244 : vector<1024xf32> to vector<1024x1xf32>
    %convert_element_type3A_246 = arith.sitofp %scan3A_218 : i32 to f32
    %mul3A_247 = arith.constant 1.024000e+03 : f32
    %mul3A_248 = arith.mulf %convert_element_type3A_246, %mul3A_247 : f32
    %add3A_249 = vector.broadcast %mul3A_248 : f32 to vector<1024x1xf32>
    %add3A_250 = arith.addf %broadcast_in_dim3A_245, %add3A_249 : vector<1024x1xf32>
    %lt3A_251 = arith.cmpf olt, %broadcast_in_dim3A_237, %select_n3A_216 : vector<1024x1xf32>
    %select_n3A_252 = arith.select %lt3A_251, %broadcast_in_dim3A_237, %select_n3A_216 : vector<1024x1xi1>, vector<1024x1xf32>
    %select_n3A_253 = arith.select %lt3A_251, %add3A_250, %select_n3A_217 : vector<1024x1xi1>, vector<1024x1xf32>
    %scan3A_254 = arith.constant 7 : i32
    %mul3A_255 = arith.constant 1024 : i32
    %mul3A_256 = arith.muli %scan3A_254, %mul3A_255 : i32
    %get3A_257 = arith.index_cast %mul3A_256 : i32 to index
    %get3A_258 = arith.constant 0 : index
    %get3A_259 = vector.load %arg3[%get3A_257, %get3A_258] : memref<8192x64xf32, #tpu.memory_space<vmem>>, vector<1024x64xf32>
    %mul3A_260 = arith.constant 1024 : i32
    %mul3A_261 = arith.muli %scan3A_254, %mul3A_260 : i32
    %get3A_262 = arith.constant 0 : index
    %get3A_263 = arith.index_cast %mul3A_261 : i32 to index
    %get3A_264 = vector.load %arg4[%get3A_262, %get3A_263] : memref<1x8192xf32, #tpu.memory_space<vmem>>, vector<1x1024xf32>
    %dot_general3A_265 = arith.constant dense<0.000000e+00> : vector<1024x1024xf32>
    %dot_general3A_266 = tpu.matmul %mul3A_3, %get3A_259, %dot_general3A_265 {dimension_numbers = #tpu.dot_dimension_numbers<[1], [1], [0], [0], [0, 0, 1, 0], [], []>, transpose_lhs_hint = false} : vector<1024x64xf32>, vector<1024x64xf32>, vector<1024x1024xf32> -> vector<1024x1024xf32>
    %add3A_267 = vector.broadcast %get3A_6 : vector<1024x1xf32> to vector<1024x1024xf32>
    %add3A_268 = vector.broadcast %get3A_264 : vector<1x1024xf32> to vector<1024x1024xf32>
    %add3A_269 = arith.addf %add3A_267, %add3A_268 : vector<1024x1024xf32>
    %add3A_270 = arith.addf %add3A_269, %dot_general3A_266 : vector<1024x1024xf32>
    %reduce_min3A_271 = arith.constant dense<0x7F800000> : vector<1024xf32>
    %reduce_min3A_272 = vector.multi_reduction <minimumf>, %add3A_270, %reduce_min3A_271 [1] : vector<1024x1024xf32> to vector<1024xf32>
    %broadcast_in_dim3A_273 = vector.shape_cast %reduce_min3A_272 : vector<1024xf32> to vector<1024x1xf32>
    %eq3A_274 = vector.broadcast %broadcast_in_dim3A_273 : vector<1024x1xf32> to vector<1024x1024xf32>
    %eq3A_275 = arith.cmpf oeq, %add3A_270, %eq3A_274 : vector<1024x1024xf32>
    %jit3A_276 = arith.constant 8.192000e+03 : f32
    %broadcast_in_dim3A_277 = vector.broadcast %jit3A_276 : f32 to vector<1024x1024xf32>
    %select_n3A_278 = arith.select %eq3A_275, %convert_element_type3A, %broadcast_in_dim3A_277 : vector<1024x1024xi1>, vector<1024x1024xf32>
    %reduce_min3A_279 = arith.constant dense<0x7F800000> : vector<1024xf32>
    %reduce_min3A_280 = vector.multi_reduction <minimumf>, %select_n3A_278, %reduce_min3A_279 [1] : vector<1024x1024xf32> to vector<1024xf32>
    %broadcast_in_dim3A_281 = vector.shape_cast %reduce_min3A_280 : vector<1024xf32> to vector<1024x1xf32>
    %convert_element_type3A_282 = arith.sitofp %scan3A_254 : i32 to f32
    %mul3A_283 = arith.constant 1.024000e+03 : f32
    %mul3A_284 = arith.mulf %convert_element_type3A_282, %mul3A_283 : f32
    %add3A_285 = vector.broadcast %mul3A_284 : f32 to vector<1024x1xf32>
    %add3A_286 = arith.addf %broadcast_in_dim3A_281, %add3A_285 : vector<1024x1xf32>
    %lt3A_287 = arith.cmpf olt, %broadcast_in_dim3A_273, %select_n3A_252 : vector<1024x1xf32>
    %select_n3A_288 = arith.select %lt3A_287, %broadcast_in_dim3A_273, %select_n3A_252 : vector<1024x1xi1>, vector<1024x1xf32>
    %select_n3A_289 = arith.select %lt3A_287, %add3A_286, %select_n3A_253 : vector<1024x1xi1>, vector<1024x1xf32>
    %scan3A_290 = arith.constant 8 : i32
    %convert_element_type3A_291 = arith.fptosi %select_n3A_289 : vector<1024x1xf32> to vector<1024x1xi32>
    %swap3A = arith.constant 0 : index
    %swap3A_292 = arith.constant 0 : index
    %swap3A_293 = vector.load %arg5[%swap3A, %swap3A_292] : memref<1024x1xi32, #tpu.memory_space<vmem>>, vector<1024x1xi32>
    tpu.vector_store %arg5[%swap3A, %swap3A_292], %convert_element_type3A_291 {strides = array<i32>} : memref<1024x1xi32, #tpu.memory_space<vmem>>, vector<1024x1xi32>,
    %reduce_sum3A = vector.shape_cast %select_n3A_288 : vector<1024x1xf32> to vector<1x1024x1xf32>
    %reduce_sum3A_294 = arith.constant dense<0.000000e+00> : vector<1xf32>
    %reduce_sum3A_295 = vector.multi_reduction <add>, %reduce_sum3A, %reduce_sum3A_294 [1, 2] : vector<1x1024x1xf32> to vector<1xf32>
    %reduce_sum3A_296 = vector.shape_cast %reduce_sum3A_295 : vector<1xf32> to vector<1x1x1xf32>
    %reduce_sum3A_297 = vector.extract %reduce_sum3A_296[0, 0, 0] : f32 from vector<1x1x1xf32>
    %reshape3A = vector.broadcast %reduce_sum3A_297 : f32 to vector<1x1x1xf32>
    %swap3A_298 = arith.constant 0 : index
    %swap3A_299 = arith.constant 0 : index
    %swap3A_300 = arith.constant 0 : index
    %swap3A_301 = vector.load %arg6[%swap3A_298, %swap3A_299, %swap3A_300] : memref<1x1x1xf32, #tpu.memory_space<vmem>>, vector<1x1x1xf32>
    tpu.vector_store %arg6[%swap3A_298, %swap3A_299, %swap3A_300], %reshape3A {strides = array<i32>} : memref<1x1x1xf32, #tpu.memory_space<vmem>>, vector<1x1x1xf32>,
    return
  }
  func.func @transform_0(%arg0: i32) -> (i32, i32) {
    %c0_i32 = arith.constant 0 : i32
    %c0_i32_0 = arith.constant 0 : i32
    return %arg0, %c0_i32 : i32, i32
  }
  func.func @transform_1(%arg0: i32) -> (i32, i32) {
    %c0_i32 = arith.constant 0 : i32
    %c0_i32_0 = arith.constant 0 : i32
    return %arg0, %c0_i32 : i32, i32
  }
  func.func @transform_2(%arg0: i32) -> (i32, i32) {
    %c0_i32 = arith.constant 0 : i32
    %c0_i32_0 = arith.constant 0 : i32
    %c0_i32_1 = arith.constant 0 : i32
    return %c0_i32, %c0_i32_0 : i32, i32
  }
  func.func @transform_3(%arg0: i32) -> (i32, i32) {
    %c0_i32 = arith.constant 0 : i32
    %c0_i32_0 = arith.constant 0 : i32
    %c0_i32_1 = arith.constant 0 : i32
    return %c0_i32, %c0_i32_0 : i32, i32
  }
  func.func @transform_4(%arg0: i32) -> (i32, i32) {
    %c0_i32 = arith.constant 0 : i32
    %c0_i32_0 = arith.constant 0 : i32
    return %arg0, %c0_i32 : i32, i32
  }
  func.func @transform_5(%arg0: i32) -> (i32, i32, i32) {
    %c0_i32 = arith.constant 0 : i32
    %c0_i32_0 = arith.constant 0 : i32
    %c0_i32_1 = arith.constant 0 : i32
    return %arg0, %c0_i32, %c0_i32_0 : i32, i32, i32
  }
}

</mosaic_0001>

<sc_bundles>
// kernel: kernel.4.cloned.1.call-start
scs
__scs_entry_jumppad:
0x0: {  	(pc) =	sbr.rel $0x88, $3  }
0x1: {  	(tag) =	ssettag $0x0;
	lr =	simm.s32 $0x1  }
0x2: {  	[smem:$0x3F9F] =	sst lr;
	_ =	strace $0xD0000000  }
0x3: {  	_ = 	snop  }
0x4: {  	_ = 	snop  }
0x5: {  	_ = 	snop  }
0x6: {  	_ = 	snop  }
0x7: {  	_ = 	snop  }
__scs_overlays_trampoline_lowered:
0x8: {  	[smem:$0x3FAE] =	sst s0  }
0x9: {  	[smem:$0x3FAF] =	sst s1  }
0xa: {  	[smem:$0x3FB0] =	sst s2  }
0xb: {  	[smem:$0x3FB1] =	sst s3  }
0xc: {  	[smem:$0x3FB2] =	sst s4  }
0xd: {  	[smem:$0x3FB3] =	sst s5  }
0xe: {  	[smem:$0x3FB4] =	sst s6  }
0xf: {  	[smem:$0x3FB5] =	sst s7  }
0x10: {  	[smem:$0x3FB6] =	sst s8  }
0x11: {  	[smem:$0x3FB7] =	sst s9;
	s0 =	simm.s32 @!p0 $0x0  }
0x12: {  	s1 =	sld [smem:$0x3F9D];
	s0 =	simm.s32 @p0 $0x1  }
0x13: {  	[smem:$0x3FB8] =	sst s0;
	s0 =	simm.s32 @!p1 $0x0  }
0x14: {  	s2 =	sld [smem:$0x3F9C];
	s0 =	simm.s32 @p1 $0x1  }
0x15: {  	[smem:$0x3FB9] =	sst s0;
	s0 =	simm.s32 @!p2 $0x0  }
0x16: {  	s3 =	sld [smem:$0x3FDB];
	s0 =	simm.s32 @p2 $0x1  }
0x17: {  	s4 =	simm.s32 $0x1BF5;
	[smem:$0x3FBB] =	sst s0  }
0x18: {  	s0 =	sld [smem:$0x3F9E];
	_ =	swait.ge [sflag:s4], $0x0  }
0x19: {  	s7 =	sld [smem:$0x3F9F]  }
0x1a: {  	s8 =	sadd.s32 $0xFFFFE003, lr  }
0x1b: {  	s9 =	sadd.s32 $0xFFFFFEF7, lr;
	s5 =	simm.s32 $0xFFFFFFFF;
	p2 =	slt.u32 s8, $0xFFFFF086  }
0x1c: {  	p1 =	slt.u32 s9, $0xF7A;
	s5 =	simm.s32 @!p2 $0x0  }
0x1d: {  	s5 =	simm.s32 @p1 $0x1;
	p0 =	seq.s32 s7, s2  }
0x1e: {  	s7 =	smul.u32 @!p0 $0xF7A, s2;
	p2 =	seq.s32 @!p0 s5, $0x0  }
0x1f: {  	s9 =	smul.u32 $0xF7A, s1;
	s8 =	simm.s32 @!p0 $0x1BF5;
	p2 =	por !p2, p0  }
0x20: {  	[sflag:s8] =	ssyncset.s32 @!p0 $0xFFFFF086;
	s6 =	sadd.s32 @!p0 s3, s7;
	s7 =	simm.s32 @!p0 $0x108  }
0x21: {  	s3 =	sadd.s32 s3, s9;
	s6 =	sadd.s32 @!p0 $0x88, s6;
	s7 =	simm.s32 @p2 $0x1082  }
0x22: {  	[simem:s7], [sflag:s8] =	dma.local @!p0 [hbm:s6], $0xF7A  }
0x23: {  	s9 =	sor.u32 $0xD0000000, s2;
	s6 =	simm.s32 $0x108;
	_ =	swait.ge @!p0 [sflag:s8], $0x0  }
0x24: {  	s3 =	sadd.s32 $0x88, s3;
	s6 =	simm.s32 @!p1 $0x1082;
	[sflag:s4] =	ssyncset.s32 $0xFFFFF086  }
0x25: {  	[simem:s6], [sflag:s4] =	dma.local [hbm:s3], $0xF7A  }
0x26: {  	[smem:$0x3F9F] =	sst s1;
	(tag) =	ssettag s2;
	_ =	strace s9  }
0x27: {  	s1 =	sld [smem:$0x3FAF]  }
0x28: {  	s2 =	sld [smem:$0x3FB0]  }
0x29: {  	s4 =	sld [smem:$0x3FB2]  }
0x2a: {  	p0 =	seq.s32 s5, $0x0;
	s5 =	sld [smem:$0x3FB3]  }
0x2b: {  	s6 =	sld [smem:$0x3FB4]  }
0x2c: {  	s7 =	sld [smem:$0x3FB5]  }
0x2d: {  	s3 =	simm.s32 $0x108;
	s8 =	sld [smem:$0x3FB6]  }
0x2e: {  	s3 =	simm.s32 @!p0 $0x1082;
	s9 =	sld [smem:$0x3FB7]  }
0x2f: {  	lr =	sadd.s32 s0, s3;
	s0 =	sld [smem:$0x3FAE]  }
0x30: {  	s3 =	sld [smem:$0x3FB1]  }
0x31: {  	[smem:$0x3FBA] =	sst s10  }
0x32: {  	s10 =	sld [smem:$0x3FB8];
	_ =	sdelay $0x3  }
0x33: {  	p0 =	seq.s32 s10, $0x1;
	s10 =	sld [smem:$0x3FBA];
	_ =	sdelay $0x3  }
0x34: {  	[smem:$0x3FBA] =	sst s10  }
0x35: {  	s10 =	sld [smem:$0x3FB9];
	_ =	sdelay $0x3  }
0x36: {  	p1 =	seq.s32 s10, $0x1;
	s10 =	sld [smem:$0x3FBA];
	_ =	sdelay $0x3  }
0x37: {  	[smem:$0x3FBA] =	sst s10  }
0x38: {  	s10 =	sld [smem:$0x3FBB]  }
0x39: {  	_ = 	snop;
	(pc) =	sbr.ind lr, $3  }
0x3a: {  	_ = 	snop  }
0x3b: {  	_ = 	snop  }
0x3c: {  	p2 =	seq.s32 s10, $0x1;
	s10 =	sld [smem:$0x3FBA]  }
0x3d: {  	_ =	shalt  }
0x3e: {  	_ =	shalt  }
0x3f: {  	_ =	shalt  }
0x40: {  	_ =	shalt  }
0x41: {  	_ =	shalt  }
0x42: {  	_ =	shalt  }
0x43: {  	_ =	shalt  }
0x44: {  	_ =	shalt  }
0x45: {  	_ =	shalt  }
0x46: {  	_ =	shalt  }
0x47: {  	_ =	shalt  }
0x48: {  	_ =	shalt  }
0x49: {  	_ =	shalt  }
0x4a: {  	_ =	shalt  }
0x4b: {  	_ =	shalt  }
0x4c: {  	_ =	shalt  }
0x4d: {  	_ =	shalt  }
0x4e: {  	_ =	shalt  }
0x4f: {  	_ =	shalt  }
0x50: {  	_ =	shalt  }
0x51: {  	_ =	shalt  }
0x52: {  	_ =	shalt  }
0x53: {  	_ =	shalt  }
0x54: {  	_ =	shalt  }
0x55: {  	_ =	shalt  }
0x56: {  	_ =	shalt  }
0x57: {  	_ =	shalt  }
0x58: {  	_ =	shalt  }
0x59: {  	_ =	shalt  }
0x5a: {  	_ =	shalt  }
0x5b: {  	_ =	shalt  }
0x5c: {  	_ =	shalt  }
0x5d: {  	_ =	shalt  }
0x5e: {  	_ =	shalt  }
0x5f: {  	_ =	shalt  }
0x60: {  	_ =	shalt  }
0x61: {  	_ =	shalt  }
0x62: {  	_ =	shalt  }
0x63: {  	_ =	shalt  }
0x64: {  	_ =	shalt  }
0x65: {  	_ =	shalt  }
0x66: {  	_ =	shalt  }
0x67: {  	_ =	shalt  }
0x68: {  	_ =	shalt  }
0x69: {  	_ =	shalt  }
0x6a: {  	_ =	shalt  }
0x6b: {  	_ =	shalt  }
0x6c: {  	_ =	shalt  }
0x6d: {  	_ =	shalt  }
0x6e: {  	_ =	shalt  }
0x6f: {  	_ =	shalt  }
0x70: {  	_ =	shalt  }
0x71: {  	_ =	shalt  }
0x72: {  	_ =	shalt  }
0x73: {  	_ =	shalt  }
0x74: {  	_ =	shalt  }
0x75: {  	_ =	shalt  }
0x76: {  	_ =	shalt  }
0x77: {  	_ =	shalt  }
0x78: {  	_ =	shalt  }
0x79: {  	_ =	shalt  }
0x7a: {  	_ =	shalt  }
0x7b: {  	_ =	shalt  }
0x7c: {  	_ =	shalt  }
0x7d: {  	_ =	shalt  }
0x7e: {  	_ =	shalt  }
0x7f: {  	_ =	shalt  }
0x80: {  	_ =	shalt  }
0x81: {  	_ =	shalt  }
0x82: {  	_ =	shalt  }
0x83: {  	_ =	shalt  }
0x84: {  	_ =	shalt  }
0x85: {  	_ =	shalt  }
0x86: {  	_ =	shalt  }
0x87: {  	_ =	shalt  }
.Lfunc_end0:
.L_simem_size_0:
called_computation.1_lowered:
.L_overlay_start_0:
0x88: {  	s2 =	sld [smem:$0x3FD9]  }
0x89: {  	s3 =	sld [smem:$0x3FFE];
	_ =	sdelay $0x1  }
0x8a: {  	s1 =	srdreg.scid  }
0x8b: {  	s0 =	sand.u32 $0x1, s1  }
0x8c: {  	s14 =	sshll.u32 s0, $0xA;
	s2 =	sadd.s32 s3, s2  }
0x8d: {  	s2 =	sadd.s32 s2, s14  }
0x8e: {  	[smem:$0x3FC6] =	sst s2  }
0x8f: {  	_ = 	snop  }
0x90: {  	s2 =	sld [smem:$0x3FD0];
	_ =	sdelay $0x2  }
0x91: {  	s15 =	simm.s32 $0xA;
	s4 =	simm.s32 $0x10  }
0x92: {  	[smem:s4], [sflag:s15] =	dma.local [hbm:s2], $0x1  }
0x93: {  	_ =	swait.eq [sflag:s15], $0x1  }
0x94: {  	[sflag:s15] =	ssyncset.done $0x0  }
0x95: {  	s16 =	sld [smem:$0x10];
	[sflag:s15] =	ssyncadd.s32 $0xFFFFFFFF  }
0x96: {  	s17 =	sld [smem:$0x11];
	(tm) =	ssettm $0x1  }
0x97: {  	s18 =	sld [smem:$0x3FFB];
	_ =	sdelay $0x3  }
0x98: {  	_ =	strace s18  }
0x99: {  	s4 =	sld [smem:$0x3FFC];
	_ =	sdelay $0x3  }
0x9a: {  	_ =	strace s4  }
0x9b: {  	s4 =	sld [smem:$0x3FFD];
	_ =	sdelay $0x3  }
0x9c: {  	_ =	strace s4  }
0x9d: {  	_ =	strace $0x8FFFFFFF  }
0x9e: {  	s19 =	sld [smem:$0x3FDB];
	_ =	sdelay $0x1  }
0x9f: {  	s5 =	simm.s32 $_scs_section_size  }
0xa0: {  	s6 =	simm.s32 $_size__tile_overlayer_lowered;
	s7 =	simm.s32 $_tile_overlayer_lowered  }
0xa1: {  	s22 =	simm.s32 $0x1BFF;
	s21 =	sshll.u32 s7, $0x1;
	s4 =	sadd.s32 s5, s19  }
0xa2: {  	s8 =	simm.s32 $0x0;
	s20 =	sshll.u32 s6, $0x1;
	s6 =	sadd.s32 s21, s4  }
0xa3: {  	[timem:s8], [sflag:s22] =	dma.local [hbm:s6], s20  }
0xa4: {  	_ =	swait.ge [sflag:s22], s20  }
0xa5: {  	s5 =	ssub.s32 $0x0, s20;
	[sflag:s22] =	ssyncset.done $0x0  }
0xa6: {  	[sflag:s22] =	ssyncadd.s32 s5;
	_ =	sdelay $0x1  }
0xa7: {  	s23 =	simm.s32 $0x1B8B  }
0xa8: {  	_ =	swait.ge [sflag:s23], $0x1  }
0xa9: {  	[sflag:s23] =	ssyncset.done $0x0  }
0xaa: {  	s25 =	simm.s32 $0x1B8E;
	s24 =	sld [smem:$0x3FFE];
	[sflag:s23] =	ssyncadd.s32 $0xFFFFFFFF  }
0xab: {  	s26 =	simm.s32 $execute0_lowered;
	[smem:$0x3FD2] =	sst s25  }
0xac: {  	s6 =	sshll.u32 s26, $0x1;
	_ =	strace $0x80000046;
	[dreg:$0x1] =	wrdreg $0xFFFFFFFF  }
0xad: {  	s28 =	simm.s32 $_size_execute0_lowered;
	s4 =	sadd.s32 s4, s6;
	[dreg:$0x0] =	wrdreg $0x0  }
0xae: {  	s6 =	sshll.u32 s28, $0x1;
	[dreg:$0x2] =	wrdreg s4  }
0xaf: {  	[dreg:$0x3] =	wrdreg s6  }
0xb0: {  	[dreg:$0x4] =	wrdreg $0xC0  }
0xb1: {  	_ =	task [dreg:s8], $0x5FFFF  }
0xb2: {  	[dreg:$0x1] =	wrdreg $0xFFFFFFFF  }
0xb3: {  	[dreg:$0x0] =	wrdreg $0x60  }
0xb4: {  	[dreg:$0x2] =	wrdreg s24  }
0xb5: {  	[dreg:$0x3] =	wrdreg s17  }
0xb6: {  	[dreg:$0x4] =	wrdreg s16  }
0xb7: {  	[dreg:$0x5] =	wrdreg $0x9  }
0xb8: {  	_ =	task.clear_ibuf [dreg:s8], $0x6FFFF;
	_ =	strace $0x90000046  }
0xb9: {  	s29 =	simm.s32 $0x9;
	_ =	strace $0x80000048  }
0xba: {  	_ =	swait.ge [sflag:s29], $0x1  }
0xbb: {  	[sflag:s29] =	ssyncadd.s32 $0xFFFFFFFF  }
0xbc: {  	_ =	strace $0x90000048  }
0xbd: {  	_ =	sfence  }
0xbe: {  	s30 =	sld [smem:$0x0];
	_ =	sdelay $0x2  }
0xbf: {  	s31 =	sshll.u32 s1, $0xD;
	s1 =	sshrl.u32 s1, $0x2  }
0xc0: {  	s3 =	sand.u32 $0x4000, s31;
	s1 =	sadd.s32 s1, s30  }
0xc1: {  	s0 =	sor.u32 s3, s0;
	s1 =	sshll.u32 s1, $0x11  }
0xc2: {  	s0 =	sor.u32 s1, s0  }
0xc3: {  	s0 =	sadd.s32 $0x8F2B, s0  }
0xc4: {  	[sflag:s0] =	ssyncadd.remote.s32 $0x1  }
0xc5: {  	_ =	sfence.sel $0xFFFF  }
0xc6: {  	[dreg:$0x0] =	wrdreg $0xFFFFFFFF;
	(pc) =	sbr.abs _section_cstart, $3  }
0xc7: {  	[dreg:$0x1] =	wrdreg $0xFFFFFFFF  }
0xc8: {  	_ =	task.clear_ibuf [dreg:s8], $0x2FFFF;
	_ =	strace $0x9FFFFFFF  }
0xc9: {  	(tm) =	ssettm $0x7FFFFFFF  }
tec
execute0_lowered:
.L_overlay_start_1:
0x0: {  	(tag) =	ssettag $0x1  }
0x1: {  	s0 =	rddreg [dreg:$0x0]  }
0x2: {  	s1 =	rddreg [dreg:$0x1];
	s2 =	srdreg.scid  }
0x3: {  	s16 =	stileid.u32;
	s3 =	rddreg [dreg:$0x2];
	s9 =	simm.s32 $0x100  }
0x4: {  	s11 =	simm.s32 $0x180;
	s4 =	sand.u32 $0x1, s2;
	s2 =	simm.s32 $0x0  }
0x5: {  	s12 =	simm.s32 $0x200;
	s13 =	simm.s32 $0x280;
	[smem:$0x7FF] =	sst s2  }
0x6: {  	s14 =	simm.s32 $0x300;
	_ =	strace $0x80000047;
	[dreg:$0x8] =	wrdreg s9  }
0x7: {  	s17 =	simm.s32 $0x380;
	s18 =	simm.s32 $0x400;
	[dreg:$0x9] =	wrdreg s11  }
0x8: {  	s19 =	simm.s32 $0x480;
	s20 =	simm.s32 $0x500;
	[dreg:$0xa] =	wrdreg s12  }
0x9: {  	s21 =	simm.s32 $0x580;
	s22 =	simm.s32 $0x600;
	[dreg:$0xb] =	wrdreg s13  }
0xa: {  	s23 =	simm.s32 $0x680;
	s24 =	simm.s32 $0x700;
	[dreg:$0xc] =	wrdreg s14  }
0xb: {  	s25 =	simm.s32 $0x780;
	s26 =	simm.s32 $0x800;
	[dreg:$0xd] =	wrdreg s17  }
0xc: {  	s28 =	simm.s32 $0x980;
	s29 =	simm.s32 $0xA00;
	[dreg:$0xe] =	wrdreg s18  }
0xd: {  	s30 =	simm.s32 $0xA80;
	s31 =	simm.s32 $0xB00;
	[dreg:$0xf] =	wrdreg s19  }
0xe: {  	p0 =	por $0x0, $0x0;
	s5 =	sshll.u32 s16, $0x1;
	[dreg:$0x10] =	wrdreg s20  }
0xf: {  	s5 =	sor.u32 s4, s5;
	s10 =	ssub.s32 $0x2, s4;
	[dreg:$0x11] =	wrdreg s21  }
0x10: {  	s6 =	sshll.u32 s5, $0xF;
	s5 =	sshll.u32 s5, $0x9;
	[dreg:$0x12] =	wrdreg s22  }
0x11: {  	s4 =	sshrl.u32 s10, $0x1;
	s9 =	simm.s32 $0x7000;
	[dreg:$0x13] =	wrdreg s23  }
0x12: {  	s11 =	simm.s32 $0xB000;
	s12 =	simm.s32 $0xD000;
	[dreg:$0x14] =	wrdreg s24  }
0x13: {  	s14 =	simm.s32 $0xF000;
	[dreg:$0x15] =	wrdreg s25;
	s13 =	simm.s32 $0x1  }
0x14: {  	[dreg:$0x16] =	wrdreg s26;
	s25 =	simm.s32 $0x880;
	s26 =	simm.s32 $0x900  }
0x15: {  	s17 =	simm.s32 $0xB80;
	s18 =	simm.s32 $0xC80;
	s19 =	simm.s32 $0xD00  }
0x16: {  	s20 =	simm.s32 $0xD80;
	s21 =	simm.s32 $0xE00;
	s1 =	sadd.s32 s1, s5  }
0x17: {  	s22 =	simm.s32 $0xE80;
	[dreg:$0x4] =	wrdreg s1;
	s1 =	ssub.s32 s10, s4  }
0x18: {  	s23 =	simm.s32 $0xF00;
	s24 =	simm.s32 $0xF80;
	s1 =	smax.u32 s1, $0x1  }
0x19: {  	s15 =	sadd.s32 s3, s6;
	s3 =	sadd.s32 $0x400000, s0;
	p1 =	sne.s32 s1, $0x1  }
.Ltmp0:
0x1a: {  	s5 =	simm.s32 $0x1000;
	s6 =	sadd.s32 $0x2000, s15;
	(pc) =	sbr.rel @!p1 .LBB2_1-.Ltmp0, $4  }
0x1b: {  	s7 =	sadd.s32 $0x4000, s15;
	s8 =	sadd.s32 $0x6000, s15;
	[dreg:$0x5] =	wrdreg s6  }
0x1c: {  	s4 =	simm.s32 $0x2;
	s10 =	simm.s32 $0x9000;
	[dreg:$0x6] =	wrdreg s7  }
0x1d: {  	[dreg:$0x7] =	wrdreg s8;
	s6 =	simm.s32 $0x80;
	s7 =	simm.s32 $0x3000  }
0x1e: {  	s8 =	simm.s32 $0x5000;
	s0 =	rddreg [dreg:$0x4];
	s1 =	sadd.s32 $0xFFFFFFFF, s1  }
0x1f: {  	[tilespmem:s2], [sflag:$0x2] =	stream.linear.gather [hbm4b:s0+s2], $0x1000, $0x38;
	[tilespmem:$0x11000] =	vst v63  }
0x20: {  	_ =	swait.ge [sflag:s4], $0x1000  }
0x21: {  	[sflag:s4] =	ssyncset.done $0x0  }
0x22: {  	[sflag:s4] =	ssyncadd.s32 $0xFFFFF000  }
0x23: {  	[tilespmem:s5], [sflag:$0x1] =	stream.indirect.gather [hbm4b:s3+s6], $0x40, s2, s6, $0xb8;
	[tilespmem:$0x11000] =	vst v63  }
0x24: {  	_ = 	snop  }
0x25: {  	[tilespmem:s7], [sflag:$0x1] =	stream.indirect.gather [hbm4b:s3+s6], $0x40, s6, s6, $0xb8;
	[tilespmem:$0x11000] =	vst v63  }
0x26: {  	s0 =	rddreg [dreg:$0x8]  }
0x27: {  	[tilespmem:s8], [sflag:$0x1] =	stream.indirect.gather [hbm4b:s3+s6], $0x40, s0, s6, $0xb8;
	[tilespmem:$0x11000] =	vst v63  }
0x28: {  	s16 =	smov.u32 s1;
	s1 =	rddreg [dreg:$0x9]  }
0x29: {  	[tilespmem:s9], [sflag:$0x1] =	stream.indirect.gather [hbm4b:s3+s6], $0x40, s1, s6, $0xb8;
	[tilespmem:$0x11000] =	vst v63  }
0x2a: {  	s0 =	rddreg [dreg:$0xa]  }
0x2b: {  	[tilespmem:s10], [sflag:$0x1] =	stream.indirect.gather [hbm4b:s3+s6], $0x40, s0, s6, $0xb8;
	[tilespmem:$0x11000] =	vst v63  }
0x2c: {  	s1 =	rddreg [dreg:$0xb]  }
0x2d: {  	[tilespmem:s11], [sflag:$0x1] =	stream.indirect.gather [hbm4b:s3+s6], $0x40, s1, s6, $0xb8;
	[tilespmem:$0x11000] =	vst v63  }
0x2e: {  	s0 =	rddreg [dreg:$0xc]  }
0x2f: {  	[tilespmem:s12], [sflag:$0x1] =	stream.indirect.gather [hbm4b:s3+s6], $0x40, s0, s6, $0xb8;
	[tilespmem:$0x11000] =	vst v63  }
0x30: {  	s1 =	rddreg [dreg:$0xd]  }
0x31: {  	[tilespmem:s14], [sflag:$0x1] =	stream.indirect.gather [hbm4b:s3+s6], $0x40, s1, s6, $0xb8;
	[tilespmem:$0x11000] =	vst v63  }
0x32: {  	_ =	swait.ge [sflag:s13], $0x10000  }
0x33: {  	[sflag:s13] =	ssyncset.done $0x0  }
0x34: {  	[sflag:s13] =	ssyncadd.s32 $0xFFFF0000  }
0x35: {  	[hbm4b:s15+s2] =	stream.linear.scatter [tilespmem:s5], [sflag:$0x2], $0x10000, $0x38;
	[tilespmem:$0x11000] =	vst v63  }
0x36: {  	_ =	swait.ge [sflag:s4], $0x10000  }
0x37: {  	[sflag:s4] =	ssyncset.done $0x0  }
0x38: {  	s0 =	rddreg [dreg:$0xe];
	[sflag:s4] =	ssyncadd.s32 $0xFFFF0000  }
0x39: {  	[tilespmem:s5], [sflag:$0x1] =	stream.indirect.gather [hbm4b:s3+s6], $0x40, s0, s6, $0xb8;
	[tilespmem:$0x11000] =	vst v63  }
0x3a: {  	s1 =	rddreg [dreg:$0xf]  }
0x3b: {  	[tilespmem:s7], [sflag:$0x1] =	stream.indirect.gather [hbm4b:s3+s6], $0x40, s1, s6, $0xb8;
	[tilespmem:$0x11000] =	vst v63  }
0x3c: {  	s0 =	rddreg [dreg:$0x10]  }
0x3d: {  	[tilespmem:s8], [sflag:$0x1] =	stream.indirect.gather [hbm4b:s3+s6], $0x40, s0, s6, $0xb8;
	[tilespmem:$0x11000] =	vst v63  }
0x3e: {  	s1 =	rddreg [dreg:$0x11]  }
0x3f: {  	[tilespmem:s9], [sflag:$0x1] =	stream.indirect.gather [hbm4b:s3+s6], $0x40, s1, s6, $0xb8;
	[tilespmem:$0x11000] =	vst v63  }
0x40: {  	s0 =	rddreg [dreg:$0x12]  }
0x41: {  	[tilespmem:s10], [sflag:$0x1] =	stream.indirect.gather [hbm4b:s3+s6], $0x40, s0, s6, $0xb8;
	[tilespmem:$0x11000] =	vst v63  }
0x42: {  	s1 =	rddreg [dreg:$0x13]  }
0x43: {  	[tilespmem:s11], [sflag:$0x1] =	stream.indirect.gather [hbm4b:s3+s6], $0x40, s1, s6, $0xb8;
	[tilespmem:$0x11000] =	vst v63  }
0x44: {  	s0 =	rddreg [dreg:$0x14]  }
0x45: {  	[tilespmem:s12], [sflag:$0x1] =	stream.indirect.gather [hbm4b:s3+s6], $0x40, s0, s6, $0xb8;
	[tilespmem:$0x11000] =	vst v63  }
0x46: {  	s1 =	rddreg [dreg:$0x15]  }
0x47: {  	[tilespmem:s14], [sflag:$0x1] =	stream.indirect.gather [hbm4b:s3+s6], $0x40, s1, s6, $0xb8;
	[tilespmem:$0x11000] =	vst v63  }
0x48: {  	_ =	swait.ge [sflag:s13], $0x10000  }
0x49: {  	[sflag:s13] =	ssyncset.done $0x0  }
0x4a: {  	s1 =	rddreg [dreg:$0x5];
	[sflag:s13] =	ssyncadd.s32 $0xFFFF0000  }
0x4b: {  	[hbm4b:s1+s2] =	stream.linear.scatter [tilespmem:s5], [sflag:$0x2], $0x10000, $0x38;
	[tilespmem:$0x11000] =	vst v63  }
0x4c: {  	_ =	swait.ge [sflag:s4], $0x10000  }
0x4d: {  	[sflag:s4] =	ssyncset.done $0x0  }
0x4e: {  	s1 =	rddreg [dreg:$0x16];
	[sflag:s4] =	ssyncadd.s32 $0xFFFF0000  }
0x4f: {  	[tilespmem:s5], [sflag:$0x1] =	stream.indirect.gather [hbm4b:s3+s6], $0x40, s1, s6, $0xb8;
	[tilespmem:$0x11000] =	vst v63  }
0x50: {  	_ = 	snop  }
0x51: {  	[tilespmem:s7], [sflag:$0x1] =	stream.indirect.gather [hbm4b:s3+s6], $0x40, s25, s6, $0xb8;
	[tilespmem:$0x11000] =	vst v63  }
0x52: {  	_ = 	snop  }
0x53: {  	[tilespmem:s8], [sflag:$0x1] =	stream.indirect.gather [hbm4b:s3+s6], $0x40, s26, s6, $0xb8;
	[tilespmem:$0x11000] =	vst v63  }
0x54: {  	_ = 	snop  }
0x55: {  	[tilespmem:s9], [sflag:$0x1] =	stream.indirect.gather [hbm4b:s3+s6], $0x40, s28, s6, $0xb8;
	[tilespmem:$0x11000] =	vst v63  }
0x56: {  	_ = 	snop  }
0x57: {  	[tilespmem:s10], [sflag:$0x1] =	stream.indirect.gather [hbm4b:s3+s6], $0x40, s29, s6, $0xb8;
	[tilespmem:$0x11000] =	vst v63  }
0x58: {  	_ = 	snop  }
0x59: {  	[tilespmem:s11], [sflag:$0x1] =	stream.indirect.gather [hbm4b:s3+s6], $0x40, s30, s6, $0xb8;
	[tilespmem:$0x11000] =	vst v63  }
0x5a: {  	_ = 	snop  }
0x5b: {  	[tilespmem:s12], [sflag:$0x1] =	stream.indirect.gather [hbm4b:s3+s6], $0x40, s31, s6, $0xb8;
	[tilespmem:$0x11000] =	vst v63  }
0x5c: {  	_ = 	snop  }
0x5d: {  	[tilespmem:s14], [sflag:$0x1] =	stream.indirect.gather [hbm4b:s3+s6], $0x40, s17, s6, $0xb8;
	[tilespmem:$0x11000] =	vst v63  }
0x5e: {  	_ =	swait.ge [sflag:s13], $0x10000  }
0x5f: {  	[sflag:s13] =	ssyncset.done $0x0  }
0x60: {  	s1 =	rddreg [dreg:$0x6];
	[sflag:s13] =	ssyncadd.s32 $0xFFFF0000  }
0x61: {  	[hbm4b:s1+s2] =	stream.linear.scatter [tilespmem:s5], [sflag:$0x2], $0x10000, $0x38;
	[tilespmem:$0x11000] =	vst v63  }
0x62: {  	_ =	swait.ge [sflag:s4], $0x10000  }
0x63: {  	[sflag:s4] =	ssyncset.done $0x0  }
0x64: {  	s1 =	simm.s32 $0xC00;
	[sflag:s4] =	ssyncadd.s32 $0xFFFF0000  }
0x65: {  	[tilespmem:s5], [sflag:$0x1] =	stream.indirect.gather [hbm4b:s3+s6], $0x40, s1, s6, $0xb8;
	[tilespmem:$0x11000] =	vst v63  }
0x66: {  	_ = 	snop  }
0x67: {  	[tilespmem:s7], [sflag:$0x1] =	stream.indirect.gather [hbm4b:s3+s6], $0x40, s18, s6, $0xb8;
	[tilespmem:$0x11000] =	vst v63  }
0x68: {  	_ = 	snop  }
0x69: {  	[tilespmem:s8], [sflag:$0x1] =	stream.indirect.gather [hbm4b:s3+s6], $0x40, s19, s6, $0xb8;
	[tilespmem:$0x11000] =	vst v63  }
0x6a: {  	_ = 	snop  }
0x6b: {  	[tilespmem:s9], [sflag:$0x1] =	stream.indirect.gather [hbm4b:s3+s6], $0x40, s20, s6, $0xb8;
	[tilespmem:$0x11000] =	vst v63  }
0x6c: {  	_ = 	snop  }
0x6d: {  	[tilespmem:s10], [sflag:$0x1] =	stream.indirect.gather [hbm4b:s3+s6], $0x40, s21, s6, $0xb8;
	[tilespmem:$0x11000] =	vst v63  }
0x6e: {  	_ = 	snop  }
0x6f: {  	[tilespmem:s11], [sflag:$0x1] =	stream.indirect.gather [hbm4b:s3+s6], $0x40, s22, s6, $0xb8;
	[tilespmem:$0x11000] =	vst v63  }
0x70: {  	_ = 	snop  }
0x71: {  	[tilespmem:s12], [sflag:$0x1] =	stream.indirect.gather [hbm4b:s3+s6], $0x40, s23, s6, $0xb8;
	[tilespmem:$0x11000] =	vst v63  }
0x72: {  	_ = 	snop  }
0x73: {  	[tilespmem:s14], [sflag:$0x1] =	stream.indirect.gather [hbm4b:s3+s6], $0x40, s24, s6, $0xb8;
	[tilespmem:$0x11000] =	vst v63  }
0x74: {  	p1 =	sne.s32 s16, $0x1;
	_ =	swait.ge [sflag:s13], $0x10000  }
.Ltmp1:
0x75: {  	[sflag:s13] =	ssyncset.done $0x0;
	(pc) =	sbr.rel @!p1 .LBB2_3-.Ltmp1, $4  }
0x76: {  	s1 =	rddreg [dreg:$0x7];
	[sflag:s13] =	ssyncadd.s32 $0xFFFF0000  }
0x77: {  	[hbm4b:s1+s2] =	stream.linear.scatter [tilespmem:s5], [sflag:$0x2], $0x10000, $0x38;
	[tilespmem:$0x11000] =	vst v63  }
0x78: {  	p0 =	por $0x1, $0x1;
	_ =	swait.ge [sflag:s4], $0x10000  }
0x79: {  	s1 =	sadd.s32 $0xFFFFFFFF, s16;
	s0 =	rddreg [dreg:$0x4];
	[sflag:s4] =	ssyncset.done $0x0  }
.LBB2_4:
0x7a: {  	[sflag:s4] =	ssyncadd.s32 $0xFFFF0000  }
0x7b: {  	[tilespmem:s2], [sflag:$0x2] =	stream.linear.gather [hbm4b:s0+s2], $0x1000, $0x38;
	[tilespmem:$0x11000] =	vst v63  }
0x7c: {  	_ =	swait.ge [sflag:s4], $0x1000  }
0x7d: {  	[sflag:s4] =	ssyncset.done $0x0  }
0x7e: {  	[sflag:s4] =	ssyncadd.s32 $0xFFFFF000  }
0x7f: {  	[tilespmem:s5], [sflag:$0x1] =	stream.indirect.gather [hbm4b:s3+s6], $0x40, s2, s6, $0xb8;
	[tilespmem:$0x11000] =	vst v63  }
0x80: {  	_ = 	snop  }
0x81: {  	[tilespmem:s7], [sflag:$0x1] =	stream.indirect.gather [hbm4b:s3+s6], $0x40, s6, s6, $0xb8;
	[tilespmem:$0x11000] =	vst v63  }
0x82: {  	s0 =	rddreg [dreg:$0x8]  }
0x83: {  	[tilespmem:s8], [sflag:$0x1] =	stream.indirect.gather [hbm4b:s3+s6], $0x40, s0, s6, $0xb8;
	[tilespmem:$0x11000] =	vst v63  }
0x84: {  	s16 =	rddreg [dreg:$0x9]  }
0x85: {  	[tilespmem:s9], [sflag:$0x1] =	stream.indirect.gather [hbm4b:s3+s6], $0x40, s16, s6, $0xb8;
	[tilespmem:$0x11000] =	vst v63  }
0x86: {  	s0 =	rddreg [dreg:$0xa]  }
0x87: {  	[tilespmem:s10], [sflag:$0x1] =	stream.indirect.gather [hbm4b:s3+s6], $0x40, s0, s6, $0xb8;
	[tilespmem:$0x11000] =	vst v63  }
0x88: {  	s16 =	rddreg [dreg:$0xb]  }
0x89: {  	[tilespmem:s11], [sflag:$0x1] =	stream.indirect.gather [hbm4b:s3+s6], $0x40, s16, s6, $0xb8;
	[tilespmem:$0x11000] =	vst v63  }
0x8a: {  	s0 =	rddreg [dreg:$0xc]  }
0x8b: {  	[tilespmem:s12], [sflag:$0x1] =	stream.indirect.gather [hbm4b:s3+s6], $0x40, s0, s6, $0xb8;
	[tilespmem:$0x11000] =	vst v63  }
0x8c: {  	s16 =	rddreg [dreg:$0xd]  }
0x8d: {  	[tilespmem:s14], [sflag:$0x1] =	stream.indirect.gather [hbm4b:s3+s6], $0x40, s16, s6, $0xb8;
	[tilespmem:$0x11000] =	vst v63  }
0x8e: {  	_ =	swait.ge [sflag:s13], $0x10000  }
0x8f: {  	[sflag:s13] =	ssyncset.done $0x0  }
0x90: {  	[sflag:s13] =	ssyncadd.s32 $0xFFFF0000  }
0x91: {  	[hbm4b:s15+s2] =	stream.linear.scatter [tilespmem:s5], [sflag:$0x2], $0x10000, $0x38;
	[tilespmem:$0x11000] =	vst v63  }
0x92: {  	_ =	swait.ge [sflag:s4], $0x10000  }
0x93: {  	[sflag:s4] =	ssyncset.done $0x0  }
0x94: {  	s0 =	rddreg [dreg:$0xe];
	[sflag:s4] =	ssyncadd.s32 $0xFFFF0000  }
0x95: {  	[tilespmem:s5], [sflag:$0x1] =	stream.indirect.gather [hbm4b:s3+s6], $0x40, s0, s6, $0xb8;
	[tilespmem:$0x11000] =	vst v63  }
0x96: {  	s16 =	rddreg [dreg:$0xf]  }
0x97: {  	[tilespmem:s7], [sflag:$0x1] =	stream.indirect.gather [hbm4b:s3+s6], $0x40, s16, s6, $0xb8;
	[tilespmem:$0x11000] =	vst v63  }
0x98: {  	s0 =	rddreg [dreg:$0x10]  }
0x99: {  	[tilespmem:s8], [sflag:$0x1] =	stream.indirect.gather [hbm4b:s3+s6], $0x40, s0, s6, $0xb8;
	[tilespmem:$0x11000] =	vst v63  }
0x9a: {  	s16 =	rddreg [dreg:$0x11]  }
0x9b: {  	[tilespmem:s9], [sflag:$0x1] =	stream.indirect.gather [hbm4b:s3+s6], $0x40, s16, s6, $0xb8;
	[tilespmem:$0x11000] =	vst v63  }
0x9c: {  	s0 =	rddreg [dreg:$0x12]  }
0x9d: {  	[tilespmem:s10], [sflag:$0x1] =	stream.indirect.gather [hbm4b:s3+s6], $0x40, s0, s6, $0xb8;
	[tilespmem:$0x11000] =	vst v63  }
0x9e: {  	s16 =	rddreg [dreg:$0x13]  }
0x9f: {  	[tilespmem:s11], [sflag:$0x1] =	stream.indirect.gather [hbm4b:s3+s6], $0x40, s16, s6, $0xb8;
	[tilespmem:$0x11000] =	vst v63  }
0xa0: {  	s0 =	rddreg [dreg:$0x14]  }
0xa1: {  	[tilespmem:s12], [sflag:$0x1] =	stream.indirect.gather [hbm4b:s3+s6], $0x40, s0, s6, $0xb8;
	[tilespmem:$0x11000] =	vst v63  }
0xa2: {  	s16 =	rddreg [dreg:$0x15]  }
0xa3: {  	[tilespmem:s14], [sflag:$0x1] =	stream.indirect.gather [hbm4b:s3+s6], $0x40, s16, s6, $0xb8;
	[tilespmem:$0x11000] =	vst v63  }
0xa4: {  	_ =	swait.ge [sflag:s13], $0x10000  }
0xa5: {  	[sflag:s13] =	ssyncset.done $0x0  }
0xa6: {  	s16 =	rddreg [dreg:$0x5];
	[sflag:s13] =	ssyncadd.s32 $0xFFFF0000  }
0xa7: {  	[hbm4b:s16+s2] =	stream.linear.scatter [tilespmem:s5], [sflag:$0x2], $0x10000, $0x38;
	[tilespmem:$0x11000] =	vst v63  }
0xa8: {  	_ =	swait.ge [sflag:s4], $0x10000  }
0xa9: {  	[sflag:s4] =	ssyncset.done $0x0  }
0xaa: {  	s16 =	rddreg [dreg:$0x16];
	[sflag:s4] =	ssyncadd.s32 $0xFFFF0000  }
0xab: {  	[tilespmem:s5], [sflag:$0x1] =	stream.indirect.gather [hbm4b:s3+s6], $0x40, s16, s6, $0xb8;
	[tilespmem:$0x11000] =	vst v63  }
0xac: {  	_ = 	snop  }
0xad: {  	[tilespmem:s7], [sflag:$0x1] =	stream.indirect.gather [hbm4b:s3+s6], $0x40, s25, s6, $0xb8;
	[tilespmem:$0x11000] =	vst v63  }
0xae: {  	_ = 	snop  }
0xaf: {  	[tilespmem:s8], [sflag:$0x1] =	stream.indirect.gather [hbm4b:s3+s6], $0x40, s26, s6, $0xb8;
	[tilespmem:$0x11000] =	vst v63  }
0xb0: {  	_ = 	snop  }
0xb1: {  	[tilespmem:s9], [sflag:$0x1] =	stream.indirect.gather [hbm4b:s3+s6], $0x40, s28, s6, $0xb8;
	[tilespmem:$0x11000] =	vst v63  }
0xb2: {  	_ = 	snop  }
0xb3: {  	[tilespmem:s10], [sflag:$0x1] =	stream.indirect.gather [hbm4b:s3+s6], $0x40, s29, s6, $0xb8;
	[tilespmem:$0x11000] =	vst v63  }
0xb4: {  	_ = 	snop  }
0xb5: {  	[tilespmem:s11], [sflag:$0x1] =	stream.indirect.gather [hbm4b:s3+s6], $0x40, s30, s6, $0xb8;
	[tilespmem:$0x11000] =	vst v63  }
0xb6: {  	_ = 	snop  }
0xb7: {  	[tilespmem:s12], [sflag:$0x1] =	stream.indirect.gather [hbm4b:s3+s6], $0x40, s31, s6, $0xb8;
	[tilespmem:$0x11000] =	vst v63  }
0xb8: {  	_ = 	snop  }
0xb9: {  	[tilespmem:s14], [sflag:$0x1] =	stream.indirect.gather [hbm4b:s3+s6], $0x40, s17, s6, $0xb8;
	[tilespmem:$0x11000] =	vst v63  }
0xba: {  	_ =	swait.ge [sflag:s13], $0x10000  }
0xbb: {  	[sflag:s13] =	ssyncset.done $0x0  }
0xbc: {  	s16 =	rddreg [dreg:$0x6];
	[sflag:s13] =	ssyncadd.s32 $0xFFFF0000  }
0xbd: {  	[hbm4b:s16+s2] =	stream.linear.scatter [tilespmem:s5], [sflag:$0x2], $0x10000, $0x38;
	[tilespmem:$0x11000] =	vst v63  }
0xbe: {  	_ =	swait.ge [sflag:s4], $0x10000  }
0xbf: {  	[sflag:s4] =	ssyncset.done $0x0  }
0xc0: {  	s16 =	simm.s32 $0xC00;
	[sflag:s4] =	ssyncadd.s32 $0xFFFF0000  }
0xc1: {  	[tilespmem:s5], [sflag:$0x1] =	stream.indirect.gather [hbm4b:s3+s6], $0x40, s16, s6, $0xb8;
	[tilespmem:$0x11000] =	vst v63  }
0xc2: {  	_ = 	snop  }
0xc3: {  	[tilespmem:s7], [sflag:$0x1] =	stream.indirect.gather [hbm4b:s3+s6], $0x40, s18, s6, $0xb8;
	[tilespmem:$0x11000] =	vst v63  }
0xc4: {  	_ = 	snop  }
0xc5: {  	[tilespmem:s8], [sflag:$0x1] =	stream.indirect.gather [hbm4b:s3+s6], $0x40, s19, s6, $0xb8;
	[tilespmem:$0x11000] =	vst v63  }
0xc6: {  	_ = 	snop  }
0xc7: {  	[tilespmem:s9], [sflag:$0x1] =	stream.indirect.gather [hbm4b:s3+s6], $0x40, s20, s6, $0xb8;
	[tilespmem:$0x11000] =	vst v63  }
0xc8: {  	_ = 	snop  }
0xc9: {  	[tilespmem:s10], [sflag:$0x1] =	stream.indirect.gather [hbm4b:s3+s6], $0x40, s21, s6, $0xb8;
	[tilespmem:$0x11000] =	vst v63  }
0xca: {  	_ = 	snop  }
0xcb: {  	[tilespmem:s11], [sflag:$0x1] =	stream.indirect.gather [hbm4b:s3+s6], $0x40, s22, s6, $0xb8;
	[tilespmem:$0x11000] =	vst v63  }
0xcc: {  	_ = 	snop  }
0xcd: {  	[tilespmem:s12], [sflag:$0x1] =	stream.indirect.gather [hbm4b:s3+s6], $0x40, s23, s6, $0xb8;
	[tilespmem:$0x11000] =	vst v63  }
0xce: {  	_ = 	snop  }
0xcf: {  	[tilespmem:s14], [sflag:$0x1] =	stream.indirect.gather [hbm4b:s3+s6], $0x40, s24, s6, $0xb8;
	[tilespmem:$0x11000] =	vst v63  }
0xd0: {  	p1 =	sne.s32 s1, $0x1;
	_ =	swait.ge [sflag:s13], $0x10000  }
.Ltmp2:
0xd1: {  	[sflag:s13] =	ssyncset.done $0x0;
	(pc) =	sbr.rel @p1 .LBB2_4-.Ltmp2, $4  }
0xd2: {  	s16 =	rddreg [dreg:$0x7];
	[sflag:s13] =	ssyncadd.s32 $0xFFFF0000  }
0xd3: {  	[hbm4b:s16+s2] =	stream.linear.scatter [tilespmem:s5], [sflag:$0x2], $0x10000, $0x38;
	[tilespmem:$0x11000] =	vst v63  }
0xd4: {  	_ =	swait.ge [sflag:s4], $0x10000  }
0xd5: {  	s1 =	sadd.s32 $0xFFFFFFFF, s1;
	s0 =	rddreg [dreg:$0x4];
	[sflag:s4] =	ssyncset.done $0x0  }
0xd6: {  	s24 =	simm.s32 $0xB80;
	s31 =	simm.s32 $0xB00;
	s30 =	simm.s32 $0xA80  }
0xd7: {  	s29 =	simm.s32 $0xA00;
	s28 =	simm.s32 $0x980;
	s26 =	simm.s32 $0x900  }
0xd8: {  	s25 =	simm.s32 $0x880;
	s23 =	simm.s32 $0xF00;
	s22 =	simm.s32 $0xE80  }
0xd9: {  	s21 =	simm.s32 $0xE00;
	s20 =	simm.s32 $0xD80;
	s19 =	simm.s32 $0xD00  }
0xda: {  	s18 =	simm.s32 $0xC80;
	s17 =	simm.s32 $0xC00;
	s16 =	stileid.u32  }
.LBB2_6:
0xdb: {  	[sflag:s4] =	ssyncadd.s32 @p0 $0xFFFF0000  }
0xdc: {  	[tilespmem:s2], [sflag:$0x2] =	stream.linear.gather [hbm4b:s0+s2], $0x1000, $0x38;
	[tilespmem:$0x11000] =	vst v63  }
0xdd: {  	_ =	swait.ge [sflag:s4], $0x1000  }
0xde: {  	[sflag:s4] =	ssyncset.done $0x0  }
0xdf: {  	[sflag:s4] =	ssyncadd.s32 $0xFFFFF000  }
0xe0: {  	[tilespmem:s5], [sflag:$0x1] =	stream.indirect.gather [hbm4b:s3+s6], $0x40, s2, s6, $0xb8;
	[tilespmem:$0x11000] =	vst v63  }
0xe1: {  	_ = 	snop  }
0xe2: {  	[tilespmem:s7], [sflag:$0x1] =	stream.indirect.gather [hbm4b:s3+s6], $0x40, s6, s6, $0xb8;
	[tilespmem:$0x11000] =	vst v63  }
0xe3: {  	s0 =	rddreg [dreg:$0x8]  }
0xe4: {  	[tilespmem:s8], [sflag:$0x1] =	stream.indirect.gather [hbm4b:s3+s6], $0x40, s0, s6, $0xb8;
	[tilespmem:$0x11000] =	vst v63  }
0xe5: {  	s1 =	rddreg [dreg:$0x9]  }
0xe6: {  	[tilespmem:s9], [sflag:$0x1] =	stream.indirect.gather [hbm4b:s3+s6], $0x40, s1, s6, $0xb8;
	[tilespmem:$0x11000] =	vst v63  }
0xe7: {  	s0 =	rddreg [dreg:$0xa]  }
0xe8: {  	[tilespmem:s10], [sflag:$0x1] =	stream.indirect.gather [hbm4b:s3+s6], $0x40, s0, s6, $0xb8;
	[tilespmem:$0x11000] =	vst v63  }
0xe9: {  	s1 =	rddreg [dreg:$0xb]  }
0xea: {  	[tilespmem:s11], [sflag:$0x1] =	stream.indirect.gather [hbm4b:s3+s6], $0x40, s1, s6, $0xb8;
	[tilespmem:$0x11000] =	vst v63  }
0xeb: {  	s0 =	rddreg [dreg:$0xc]  }
0xec: {  	[tilespmem:s12], [sflag:$0x1] =	stream.indirect.gather [hbm4b:s3+s6], $0x40, s0, s6, $0xb8;
	[tilespmem:$0x11000] =	vst v63  }
0xed: {  	s1 =	rddreg [dreg:$0xd]  }
0xee: {  	[tilespmem:s14], [sflag:$0x1] =	stream.indirect.gather [hbm4b:s3+s6], $0x40, s1, s6, $0xb8;
	[tilespmem:$0x11000] =	vst v63  }
0xef: {  	_ =	swait.ge [sflag:s13], $0x10000  }
0xf0: {  	[sflag:s13] =	ssyncset.done $0x0  }
0xf1: {  	[sflag:s13] =	ssyncadd.s32 $0xFFFF0000  }
0xf2: {  	[hbm4b:s15+s2] =	stream.linear.scatter [tilespmem:s5], [sflag:$0x2], $0x10000, $0x38;
	[tilespmem:$0x11000] =	vst v63  }
0xf3: {  	_ =	swait.ge [sflag:s4], $0x10000  }
0xf4: {  	[sflag:s4] =	ssyncset.done $0x0  }
0xf5: {  	s1 =	rddreg [dreg:$0xe];
	[sflag:s4] =	ssyncadd.s32 $0xFFFF0000  }
0xf6: {  	[tilespmem:s5], [sflag:$0x1] =	stream.indirect.gather [hbm4b:s3+s6], $0x40, s1, s6, $0xb8;
	[tilespmem:$0x11000] =	vst v63  }
0xf7: {  	s15 =	rddreg [dreg:$0xf]  }
0xf8: {  	[tilespmem:s7], [sflag:$0x1] =	stream.indirect.gather [hbm4b:s3+s6], $0x40, s15, s6, $0xb8;
	[tilespmem:$0x11000] =	vst v63  }
0xf9: {  	s0 =	rddreg [dreg:$0x10]  }
0xfa: {  	[tilespmem:s8], [sflag:$0x1] =	stream.indirect.gather [hbm4b:s3+s6], $0x40, s0, s6, $0xb8;
	[tilespmem:$0x11000] =	vst v63  }
0xfb: {  	s15 =	rddreg [dreg:$0x11]  }
0xfc: {  	[tilespmem:s9], [sflag:$0x1] =	stream.indirect.gather [hbm4b:s3+s6], $0x40, s15, s6, $0xb8;
	[tilespmem:$0x11000] =	vst v63  }
0xfd: {  	s0 =	rddreg [dreg:$0x12]  }
0xfe: {  	[tilespmem:s10], [sflag:$0x1] =	stream.indirect.gather [hbm4b:s3+s6], $0x40, s0, s6, $0xb8;
	[tilespmem:$0x11000] =	vst v63  }
0xff: {  	s15 =	rddreg [dreg:$0x13]  }
0x100: {  	[tilespmem:s11], [sflag:$0x1] =	stream.indirect.gather [hbm4b:s3+s6], $0x40, s15, s6, $0xb8;
	[tilespmem:$0x11000] =	vst v63  }
0x101: {  	s0 =	rddreg [dreg:$0x14]  }
0x102: {  	[tilespmem:s12], [sflag:$0x1] =	stream.indirect.gather [hbm4b:s3+s6], $0x40, s0, s6, $0xb8;
	[tilespmem:$0x11000] =	vst v63  }
0x103: {  	s15 =	rddreg [dreg:$0x15]  }
0x104: {  	[tilespmem:s14], [sflag:$0x1] =	stream.indirect.gather [hbm4b:s3+s6], $0x40, s15, s6, $0xb8;
	[tilespmem:$0x11000] =	vst v63  }
0x105: {  	_ =	swait.ge [sflag:s13], $0x10000  }
0x106: {  	[sflag:s13] =	ssyncset.done $0x0  }
0x107: {  	s1 =	rddreg [dreg:$0x5];
	[sflag:s13] =	ssyncadd.s32 $0xFFFF0000  }
0x108: {  	[hbm4b:s1+s2] =	stream.linear.scatter [tilespmem:s5], [sflag:$0x2], $0x10000, $0x38;
	[tilespmem:$0x11000] =	vst v63  }
0x109: {  	_ =	swait.ge [sflag:s4], $0x10000  }
0x10a: {  	[sflag:s4] =	ssyncset.done $0x0  }
0x10b: {  	s15 =	rddreg [dreg:$0x16];
	[sflag:s4] =	ssyncadd.s32 $0xFFFF0000  }
0x10c: {  	[tilespmem:s5], [sflag:$0x1] =	stream.indirect.gather [hbm4b:s3+s6], $0x40, s15, s6, $0xb8;
	[tilespmem:$0x11000] =	vst v63  }
0x10d: {  	_ = 	snop  }
0x10e: {  	[tilespmem:s7], [sflag:$0x1] =	stream.indirect.gather [hbm4b:s3+s6], $0x40, s25, s6, $0xb8;
	[tilespmem:$0x11000] =	vst v63  }
0x10f: {  	_ = 	snop  }
0x110: {  	[tilespmem:s8], [sflag:$0x1] =	stream.indirect.gather [hbm4b:s3+s6], $0x40, s26, s6, $0xb8;
	[tilespmem:$0x11000] =	vst v63  }
0x111: {  	_ = 	snop  }
0x112: {  	[tilespmem:s9], [sflag:$0x1] =	stream.indirect.gather [hbm4b:s3+s6], $0x40, s28, s6, $0xb8;
	[tilespmem:$0x11000] =	vst v63  }
0x113: {  	_ = 	snop  }
0x114: {  	[tilespmem:s10], [sflag:$0x1] =	stream.indirect.gather [hbm4b:s3+s6], $0x40, s29, s6, $0xb8;
	[tilespmem:$0x11000] =	vst v63  }
0x115: {  	_ = 	snop  }
0x116: {  	[tilespmem:s11], [sflag:$0x1] =	stream.indirect.gather [hbm4b:s3+s6], $0x40, s30, s6, $0xb8;
	[tilespmem:$0x11000] =	vst v63  }
0x117: {  	_ = 	snop  }
0x118: {  	[tilespmem:s12], [sflag:$0x1] =	stream.indirect.gather [hbm4b:s3+s6], $0x40, s31, s6, $0xb8;
	[tilespmem:$0x11000] =	vst v63  }
0x119: {  	_ = 	snop  }
0x11a: {  	[tilespmem:s14], [sflag:$0x1] =	stream.indirect.gather [hbm4b:s3+s6], $0x40, s24, s6, $0xb8;
	[tilespmem:$0x11000] =	vst v63  }
0x11b: {  	_ =	swait.ge [sflag:s13], $0x10000  }
0x11c: {  	[sflag:s13] =	ssyncset.done $0x0  }
0x11d: {  	s29 =	rddreg [dreg:$0x6];
	[sflag:s13] =	ssyncadd.s32 $0xFFFF0000  }
0x11e: {  	[hbm4b:s29+s2] =	stream.linear.scatter [tilespmem:s5], [sflag:$0x2], $0x10000, $0x38;
	[tilespmem:$0x11000] =	vst v63  }
0x11f: {  	_ =	swait.ge [sflag:s4], $0x10000  }
0x120: {  	[sflag:s4] =	ssyncset.done $0x0  }
0x121: {  	[sflag:s4] =	ssyncadd.s32 $0xFFFF0000  }
0x122: {  	[tilespmem:s5], [sflag:$0x1] =	stream.indirect.gather [hbm4b:s3+s6], $0x40, s17, s6, $0xb8;
	[tilespmem:$0x11000] =	vst v63  }
0x123: {  	_ = 	snop  }
0x124: {  	[tilespmem:s7], [sflag:$0x1] =	stream.indirect.gather [hbm4b:s3+s6], $0x40, s18, s6, $0xb8;
	[tilespmem:$0x11000] =	vst v63  }
0x125: {  	_ = 	snop  }
0x126: {  	[tilespmem:s8], [sflag:$0x1] =	stream.indirect.gather [hbm4b:s3+s6], $0x40, s19, s6, $0xb8;
	[tilespmem:$0x11000] =	vst v63  }
0x127: {  	_ = 	snop  }
0x128: {  	[tilespmem:s9], [sflag:$0x1] =	stream.indirect.gather [hbm4b:s3+s6], $0x40, s20, s6, $0xb8;
	[tilespmem:$0x11000] =	vst v63  }
0x129: {  	_ = 	snop  }
0x12a: {  	[tilespmem:s10], [sflag:$0x1] =	stream.indirect.gather [hbm4b:s3+s6], $0x40, s21, s6, $0xb8;
	[tilespmem:$0x11000] =	vst v63  }
0x12b: {  	_ = 	snop  }
0x12c: {  	[tilespmem:s11], [sflag:$0x1] =	stream.indirect.gather [hbm4b:s3+s6], $0x40, s22, s6, $0xb8;
	[tilespmem:$0x11000] =	vst v63  }
0x12d: {  	_ = 	snop  }
0x12e: {  	[tilespmem:s12], [sflag:$0x1] =	stream.indirect.gather [hbm4b:s3+s6], $0x40, s23, s6, $0xb8;
	[tilespmem:$0x11000] =	vst v63  }
0x12f: {  	s30 =	simm.s32 $0xF80  }
0x130: {  	[tilespmem:s14], [sflag:$0x1] =	stream.indirect.gather [hbm4b:s3+s6], $0x40, s30, s6, $0xb8;
	[tilespmem:$0x11000] =	vst v63  }
0x131: {  	_ =	swait.ge [sflag:s13], $0x10000  }
0x132: {  	[sflag:s13] =	ssyncset.done $0x0  }
0x133: {  	s31 =	rddreg [dreg:$0x7];
	[sflag:s13] =	ssyncadd.s32 $0xFFFF0000  }
0x134: {  	[hbm4b:s31+s2] =	stream.linear.scatter [tilespmem:s5], [sflag:$0x2], $0x10000, $0x38;
	[tilespmem:$0x11000] =	vst v63  }
0x135: {  	_ =	swait.ge [sflag:s4], $0x10000  }
0x136: {  	[sflag:s4] =	ssyncset.done $0x0  }
0x137: {  	[sflag:s4] =	ssyncadd.s32 $0xFFFF0000  }
0x138: {  	_ =	sfence.sel $0x180000  }
0x139: {  	[bflag:$0x0] =	sbarrier.arrive $0xFFFF  }
0x13a: {  	_ =	strace $0x90000047  }
0x13b: {  	[bflag:$0x2] =	sbarrier.arrive $0xFFFF  }
0x13c: {  	p0 =	sne.s32 s16, $0x0;
	s0 =	rddreg [dreg:$0x3]  }
0x13d: {  	s0 =	sadd.s32 @!p0 $0x100000, s0  }
0x13e: {  	[sflag:s0] =	ssyncadd.tile.s32 @!p0 $0x1;
	_ =	shalt  }
.LBB2_1:
.Ltmp3:
0x13f: {  	s24 =	simm.s32 $0xB80;
	s31 =	simm.s32 $0xB00;
	(pc) =	sbr.rel .LBB2_6-.Ltmp3, $4  }
0x140: {  	s30 =	simm.s32 $0xA80;
	s29 =	simm.s32 $0xA00;
	s28 =	simm.s32 $0x980  }
0x141: {  	s26 =	simm.s32 $0x900;
	s25 =	simm.s32 $0x880;
	s23 =	simm.s32 $0xF00  }
0x142: {  	s22 =	simm.s32 $0xE80;
	s21 =	simm.s32 $0xE00;
	s20 =	simm.s32 $0xD80  }
0x143: {  	s19 =	simm.s32 $0xD00;
	s18 =	simm.s32 $0xC80;
	s17 =	simm.s32 $0xC00  }
.LBB2_3:
0x144: {  	s24 =	simm.s32 $0xB80  }
.Ltmp4:
0x145: {  	s31 =	simm.s32 $0xB00;
	s30 =	simm.s32 $0xA80;
	(pc) =	sbr.rel .LBB2_6-.Ltmp4, $4  }
0x146: {  	s29 =	simm.s32 $0xA00;
	s28 =	simm.s32 $0x980;
	s26 =	simm.s32 $0x900  }
0x147: {  	s25 =	simm.s32 $0x880;
	s23 =	simm.s32 $0xF00;
	s22 =	simm.s32 $0xE80  }
0x148: {  	s21 =	simm.s32 $0xE00;
	s20 =	simm.s32 $0xD80;
	s19 =	simm.s32 $0xD00  }
0x149: {  	s18 =	simm.s32 $0xC80;
	s17 =	simm.s32 $0xC00;
	s16 =	stileid.u32  }
.Lfunc_end2:
_tile_overlayer_lowered:
.L_overlay_start_2:
0x14a: {  	(tag) =	ssettag $0x2  }
0x14b: {  	s0 =	rddreg [dreg:$0x0];
	s2 =	stileid.u32  }
0x14c: {  	s1 =	rddreg [dreg:$0x1];
	p0 =	sne.s32 s2, $0x0  }
0x14d: {  	s3 =	rddreg [dreg:$0x2];
	[bflag:$0x3] =	sbarrier.arrive $0xFFFF;
	s2 =	simm.s32 @!p0 $0x1C02  }
0x14e: {  	[timem:s3], [sflag:s2] =	dma.local @!p0 [hbm:s0], s1  }
0x14f: {  	s0 =	simm.s32 @!p0 $0x2  }
0x150: {  	_ =	swait.ge @!p0 [sflag:s0], s1  }
0x151: {  	s1 =	ssub.s32 @!p0 $0x0, s1;
	[sflag:s0] =	ssyncset.done @!p0 $0x0  }
0x152: {  	[sflag:s0] =	ssyncadd.s32 @!p0 s1  }
0x153: {  	[bflag:$0x3] =	sbarrier.arrive $0xFFFF  }
0x154: {  	_ =	shalt  }

// kernel: sparse-core-data-format-call.cloned.1.call-start
scs
called_computation_lowered:
.L_overlay_start_0:
0x0: {  	s2 =	sld [smem:$0x3FD9]  }
0x1: {  	s3 =	sld [smem:$0x3FFE];
	_ =	sdelay $0x1  }
0x2: {  	s1 =	srdreg.scid  }
0x3: {  	s0 =	sand.u32 $0x1, s1  }
0x4: {  	s15 =	sshll.u32 s0, $0xA;
	s2 =	sadd.s32 s3, s2  }
0x5: {  	s2 =	sadd.s32 s2, s15  }
0x6: {  	[smem:$0x3FC6] =	sst s2  }
0x7: {  	_ = 	snop  }
0x8: {  	s2 =	sld [smem:$0x3FD0];
	_ =	sdelay $0x2  }
0x9: {  	s16 =	simm.s32 $0xA;
	s4 =	simm.s32 $0x10  }
0xa: {  	[smem:s4], [sflag:s16] =	dma.local [hbm:s2], $0x1  }
0xb: {  	_ =	swait.eq [sflag:s16], $0x1  }
0xc: {  	[sflag:s16] =	ssyncset.done $0x0  }
0xd: {  	[sflag:s16] =	ssyncadd.s32 $0xFFFFFFFF  }
0xe: {  	s17 =	sld [smem:$0x10];
	(tm) =	ssettm $0x1  }
0xf: {  	s18 =	sld [smem:$0x3FFB];
	_ =	sdelay $0x3  }
0x10: {  	_ =	strace s18  }
0x11: {  	s3 =	sld [smem:$0x3FFC];
	_ =	sdelay $0x3  }
0x12: {  	_ =	strace s3  }
0x13: {  	s3 =	sld [smem:$0x3FFD];
	_ =	sdelay $0x3  }
0x14: {  	_ =	strace s3  }
0x15: {  	_ =	strace $0x8FFFFFFF  }
0x16: {  	s19 =	sld [smem:$0x3FDB];
	_ =	sdelay $0x1  }
0x17: {  	s20 =	simm.s32 $_scs_section_size  }
0x18: {  	s5 =	simm.s32 $_size__tile_overlayer_lowered;
	s6 =	simm.s32 $_tile_overlayer_lowered  }
0x19: {  	s23 =	simm.s32 $0x1BFF;
	s22 =	sshll.u32 s6, $0x1;
	s3 =	sadd.s32 s20, s19  }
0x1a: {  	s7 =	simm.s32 $0x0;
	s21 =	sshll.u32 s5, $0x1;
	s5 =	sadd.s32 s22, s3  }
0x1b: {  	[timem:s7], [sflag:s23] =	dma.local [hbm:s5], s21  }
0x1c: {  	_ =	swait.ge [sflag:s23], s21  }
0x1d: {  	s4 =	ssub.s32 $0x0, s21;
	[sflag:s23] =	ssyncset.done $0x0  }
0x1e: {  	[sflag:s23] =	ssyncadd.s32 s4;
	_ =	sdelay $0x1  }
0x1f: {  	s24 =	simm.s32 $0x1B8B  }
0x20: {  	_ =	swait.ge [sflag:s24], $0x1  }
0x21: {  	[sflag:s24] =	ssyncset.done $0x0  }
0x22: {  	s26 =	simm.s32 $0x1B8E;
	s25 =	sld [smem:$0x3FFE];
	[sflag:s24] =	ssyncadd.s32 $0xFFFFFFFF  }
0x23: {  	s27 =	simm.s32 $execute0_lowered;
	[smem:$0x3FD2] =	sst s26  }
0x24: {  	s5 =	sshll.u32 s27, $0x1;
	_ =	strace $0x80000049;
	[dreg:$0x1] =	wrdreg $0xFFFFFFFF  }
0x25: {  	s28 =	simm.s32 $_size_execute0_lowered;
	s3 =	sadd.s32 s3, s5;
	[dreg:$0x0] =	wrdreg $0x0  }
0x26: {  	s5 =	sshll.u32 s28, $0x1;
	[dreg:$0x2] =	wrdreg s3  }
0x27: {  	[dreg:$0x3] =	wrdreg s5  }
0x28: {  	[dreg:$0x4] =	wrdreg $0xC0  }
0x29: {  	_ =	task [dreg:s7], $0x5FFFF  }
0x2a: {  	[dreg:$0x1] =	wrdreg $0xFFFFFFFF  }
0x2b: {  	[dreg:$0x0] =	wrdreg $0x60  }
0x2c: {  	[dreg:$0x2] =	wrdreg s25  }
0x2d: {  	[dreg:$0x3] =	wrdreg s17  }
0x2e: {  	[dreg:$0x4] =	wrdreg $0x9  }
0x2f: {  	_ =	task.clear_ibuf [dreg:s7], $0x5FFFF;
	_ =	strace $0x90000049  }
0x30: {  	s29 =	simm.s32 $0x9;
	_ =	strace $0x8000004B  }
0x31: {  	_ =	swait.ge [sflag:s29], $0x1  }
0x32: {  	[sflag:s29] =	ssyncadd.s32 $0xFFFFFFFF  }
0x33: {  	_ =	strace $0x9000004B  }
0x34: {  	_ =	sfence  }
0x35: {  	s30 =	sld [smem:$0x0];
	_ =	sdelay $0x2  }
0x36: {  	s31 =	sshll.u32 s1, $0xD;
	s1 =	sshrl.u32 s1, $0x2  }
0x37: {  	s3 =	sand.u32 $0x4000, s31;
	s1 =	sadd.s32 s1, s30  }
0x38: {  	s0 =	sor.u32 s3, s0;
	s1 =	sshll.u32 s1, $0x11  }
0x39: {  	s0 =	sor.u32 s1, s0  }
0x3a: {  	s0 =	sadd.s32 $0x8F2B, s0  }
0x3b: {  	[sflag:s0] =	ssyncadd.remote.s32 $0x1  }
0x3c: {  	_ =	sfence.sel $0xFFFF  }
0x3d: {  	[dreg:$0x0] =	wrdreg $0xFFFFFFFF;
	(pc) =	sbr.abs _section_cstart, $3  }
0x3e: {  	[dreg:$0x1] =	wrdreg $0xFFFFFFFF  }
0x3f: {  	_ =	task.clear_ibuf [dreg:s7], $0x2FFFF;
	_ =	strace $0x9FFFFFFF  }
0x40: {  	(tm) =	ssettm $0x7FFFFFFF  }
0x41: {  	_ =	shalt  }
tec
execute0_lowered:
.L_overlay_start_1:
0x0: {  	(tag) =	ssettag $0x1  }
0x1: {  	s0 =	srdreg.scid  }
0x2: {  	s1 =	sshll.u32 s0, $0x4  }
0x3: {  	s4 =	rddreg [dreg:$0x0];
	s0 =	stileid.u32;
	s1 =	sand.u32 $0x10, s1  }
0x4: {  	s2 =	rddreg [dreg:$0x1];
	s7 =	simm.s32 $0x1;
	s1 =	sor.u32 s0, s1  }
0x5: {  	s8 =	simm.s32 $0x2;
	s11 =	simm.s32 $0x0;
	s3 =	sshll.u32 s1, $0x7  }
0x6: {  	s10 =	simm.s32 $0x0;
	s4 =	sadd.s32 $0x800, s4;
	s6 =	ssub.s32 $0x20000, s3  }
.Ltmp0:
0x7: {  	s1 =	rddreg [dreg:$0x2];
	s5 =	sand.u32 $0xF80, s6;
	(pc) =	sbr.rel .LBB1_1-.Ltmp0, $4  }
0x8: {  	_ =	strace $0x8000004A;
	s9 =	smov.u32 s3;
	p0 =	sne.s32 s5, $0x0  }
0x9: {  	s6 =	sshrl.u32 s6, $0xC;
	s5 =	simm.s32 $0x1;
	s7 =	simm.s32 @!p0 $0x0  }
0xa: {  	[sflag:s5] =	ssyncpa.u1 $0x0;
	p0 =	por $0x0, $0x0;
	s6 =	sadd.s32 s7, s6  }
0xb: {  	[sflag:s8] =	ssyncpa.u1 $0x0;
	s8 =	simm.s32 $0x100000;
	s7 =	sadd.s32 $0x1, s6  }
.LBB1_4:
0xc: {  	s14 =	sshll.u32 s11, $0x3  }
0xd: {  	s15 =	sand.u32 $0x78, s11;
	s14 =	sand.u32 $0x1FC00, s14  }
0xe: {  	[tilespmem:s13+$0x810 ss:$0x81] =	vst.msk $0xffff, v2;
	s29 =	sand.u32 $0xFC000, s11;
	s30 =	sand.u32 $0x7, s11;
	s14 =	sor.u32 s15, s14  }
0xf: {  	[tilespmem:s13+$0x1020 ss:$0x81] =	vst.msk $0xffff, v0;
	s11 =	sshll.u32 s30, $0x12;
	s15 =	sadd.s32 s2, s29;
	s14 =	sshrl.u32 s14, $0x3  }
0x10: {  	[tilespmem:s13+$0x0 ss:$0x81] =	vst.msk $0xffff, v1;
	s11 =	sor.u32 $0x400, s11;
	s31 =	sadd.s32 s14, s15  }
0x11: {  	[hbm4b:s31+s11] =	stream.strided.scatter [tilespmem:s12], [sflag:$0x2], $0x2000, s8, s11, $0x20;
	[tilespmem:$0x8080] =	vst v63  }
.LBB1_5:
0x12: {  	s13 =	sadd.s32 $0x1000, s9  }
0x13: {  	p2 =	sgt.s32 s13, $0x1FFFF  }
0x14: {  	s13 =	smov.u32 @p2 s3;
	p2 =	sne.s32 s10, s7  }
.Ltmp1:
0x15: {  	p1 =	slt.u32 s10, $0x2;
	(pc) =	sbr.rel @!p2 .LBB1_6-.Ltmp1, $4  }
0x16: {  	s12 =	simm.s32 @!p1 $0x2  }
0x17: {  	s14 =	sadd.s32 $0x1, s10;
	_ =	swait.ge @!p1 [sflag:s12], $0x2000  }
0x18: {  	s11 =	smov.u32 s9;
	p0 =	por !p0, !p0;
	[sflag:s12] =	ssyncset.done @!p1 $0x0  }
0x19: {  	s10 =	smov.u32 s14;
	s9 =	smov.u32 s13;
	[sflag:s12] =	ssyncadd.s32 @!p1 $0xFFFFE000  }
.LBB1_1:
0x1a: {  	p1 =	sge.u32 s10, s6  }
0x1b: {  	s31 =	sadd.s32 $0xFFFFFFFF, s10;
	s12 =	sxor.u32 @!p1 $0xFFFFFFFF, s10;
	s13 =	sshll.u32 @!p1 s9, $0x4  }
0x1c: {  	s14 =	simm.s32 @!p1 $0x40;
	s12 =	sshll.u32 @!p1 s12, $0xD;
	s13 =	sand.u32 @!p1 $0x1FFFF0, s13  }
0x1d: {  	s15 =	simm.s32 @!p1 $0x80;
	s12 =	sand.u32 @!p1 $0x2000, s12;
	s13 =	sadd.s32 @!p1 s4, s13  }
0x1e: {  	[tilespmem:s12], [sflag:$0x1] =	stream.strided.gather @!p1 [hbm4b:s13+s14], $0x2000, s15, s14, $0x38;
	[tilespmem:$0x8080] =	vst v63  }
0x1f: {  	p1 =	sge.u32 s31, s6  }
.Ltmp2:
0x20: {  	_ = 	snop;
	(pc) =	sbr.rel @p1 .LBB1_5-.Ltmp2, $1  }
0x21: {  	_ =	sdelay $0x3  }
0x22: {  	s12 =	simm.s32 $0x1  }
0x23: {  	_ =	swait.ge [sflag:s5], $0x2000;
	s12 =	simm.s32 @!p0 $0x0  }
0x24: {  	[sflag:s5] =	ssyncset.done $0x0;
	s13 =	sshll.u32 s12, $0xD  }
0x25: {  	[sflag:s5] =	ssyncadd.s32 $0xFFFFE000;
	s16 =	sor.u32 $0x20, s13  }
0x26: {  	s12 =	smul.u32 $0x8100, s12;
	v3 =	vld [tilespmem:s16+$0x10]  }
0x27: {  	s30 =	sand.u32 $0x1, s10;
	v2 =	vld [tilespmem:s16+$0xFFFFFFF0]  }
0x28: {  	s13 =	smul.u32 $0x8100, s30;
	s12 =	sshrl.u32 s12, $0x2;
	v0 =	vld [tilespmem:s16+$0x0]  }
0x29: {  	v1 =	vld [tilespmem:s16+$0xFFFFFFE0];
	s14 =	sor.u32 $0x4000, s12  }
0x2a: {  	s31 =	sshrl.u32 s13, $0x2;
	s13 =	sadd.s32 $0x0, s14  }
0x2b: {  	s15 =	simm.s32 $0x4;
	s16 =	sadd.s32 $0x40, s16;
	s12 =	sor.u32 $0x4000, s31;
	[tilespmem:s13+$0x1830 ss:$0x81] =	vst.msk $0xffff, v3  }
.LBB1_3:
0x2c: {  	v3 =	vld [tilespmem:s16+$0x10];
	p1 =	sne.s32 s15, $0x1FC;
	[tilespmem:s13+$0x810 ss:$0x81] =	vst.msk $0xffff, v2;
	s17 =	smov.u32 s15;
	s15 =	sadd.s32 $0x4, s15  }
.Ltmp3:
0x2d: {  	v2 =	vld [tilespmem:s16+$0xFFFFFFF0];
	[tilespmem:s13+$0x1020 ss:$0x81] =	vst.msk $0xffff, v0;
	(pc) =	sbr.rel @p1 .LBB1_3-.Ltmp3, $4  }
0x2e: {  	v0 =	vld [tilespmem:s16+$0x0];
	[tilespmem:s13+$0x0 ss:$0x81] =	vst.msk $0xffff, v1  }
0x2f: {  	s13 =	sshra.s32 s17, $0x2;
	v1 =	vld [tilespmem:s16+$0xFFFFFFE0]  }
0x30: {  	s13 =	sadd.s32 s13, s14  }
0x31: {  	s16 =	sadd.s32 $0x40, s16;
	[tilespmem:s13+$0x1830 ss:$0x81] =	vst.msk $0xffff, v3  }
.Ltmp4:
0x32: {  	_ = 	snop;
	(pc) =	sbr.rel .LBB1_4-.Ltmp4, $1  }
0x33: {  	_ =	sdelay $0x3  }
.LBB1_6:
0x34: {  	_ =	sfence.sel $0x180000  }
0x35: {  	s2 =	simm.s32 $0x1;
	[bflag:$0x0] =	sbarrier.arrive $0xFFFF  }
0x36: {  	s31 =	simm.s32 $0x2;
	[sflag:s2] =	ssyncpa.u1 $0x1  }
0x37: {  	[sflag:s31] =	ssyncpa.u1 $0x1  }
0x38: {  	p0 =	sne.s32 s0, $0x0;
	_ =	strace $0x9000004A  }
0x39: {  	s0 =	sadd.s32 @!p0 $0x100000, s1;
	[bflag:$0x2] =	sbarrier.arrive $0xFFFF  }
0x3a: {  	[sflag:s0] =	ssyncadd.tile.s32 @!p0 $0x1;
	_ =	shalt  }
.Lfunc_end1:
_tile_overlayer_lowered:
.L_overlay_start_2:
0x3b: {  	(tag) =	ssettag $0x2  }
0x3c: {  	s0 =	rddreg [dreg:$0x0];
	s2 =	stileid.u32  }
0x3d: {  	s1 =	rddreg [dreg:$0x1];
	p0 =	sne.s32 s2, $0x0  }
0x3e: {  	s3 =	rddreg [dreg:$0x2];
	[bflag:$0x3] =	sbarrier.arrive $0xFFFF;
	s2 =	simm.s32 @!p0 $0x1C01  }
0x3f: {  	[timem:s3], [sflag:s2] =	dma.local @!p0 [hbm:s0], s1  }
0x40: {  	s0 =	simm.s32 @!p0 $0x1  }
0x41: {  	_ =	swait.ge @!p0 [sflag:s0], s1  }
0x42: {  	s1 =	ssub.s32 @!p0 $0x0, s1;
	[sflag:s0] =	ssyncset.done @!p0 $0x0  }
0x43: {  	[sflag:s0] =	ssyncadd.s32 @!p0 s1  }
0x44: {  	[bflag:$0x3] =	sbarrier.arrive $0xFFFF  }
0x45: {  	_ =	shalt  }

</sc_bundles>
